<compile_context>
chip_gen: v7x
topology: tpu7x:2x2x1
jax: 0.10.2.dev20260603
libtpu: 0.0.44.dev20260713+nightly
codegen_flags: <defaults>
</compile_context>

<pallas_src>
import functools

import jax
import jax.numpy as jnp
from jax import lax
from jax.experimental import pallas as pl
from jax.experimental.pallas import tpu as pltpu
from jax.experimental.pallas import tpu_sc as plsc

NC = 2
NS = 16
NW = NC * NS
L = 16


def _sc_mesh():
    return plsc.VectorSubcoreMesh(core_axis_name="c", subcore_axis_name="s")


def _deg_body(nvec, src_hbm, dst_hbm, zeros_hbm, dego_hbm, degi_hbm,
              idx_src, idx_dst, dego_loc, degi_loc):
    c = lax.axis_index("c")
    s = lax.axis_index("s")
    w = s * NC + c
    pltpu.sync_copy(zeros_hbm, dego_loc)
    pltpu.sync_copy(zeros_hbm, degi_loc)
    pltpu.sync_copy(src_hbm.at[w], idx_src)
    pltpu.sync_copy(dst_hbm.at[w], idx_dst)

    def chunk(row, carry):
        for idx_ref, loc in ((idx_src, dego_loc), (idx_dst, degi_loc)):
            for t in range(8):
                idx = idx_ref[row, pl.ds(t * L, L)]
                cnt, last = plsc.scan_count(idx)
                plsc.addupdate_scatter(
                    loc,
                    [lax.shift_right_logical(idx, 7),
                     lax.bitwise_and(idx, 127)],
                    cnt.astype(jnp.float32),
                    mask=last,
                )
        return carry

    lax.fori_loop(0, nvec // 8, chunk, 0)
    pltpu.sync_copy(dego_loc, dego_hbm.at[w])
    pltpu.sync_copy(degi_loc, degi_hbm.at[w])


def _msg_body(nchunk, rows_per_tile, h_hbm, src_hbm, dst_hbm, zeros_hbm,
              agg_hbm, idx_src, idx_dst, rows0, rows1, agg_sh, gsem, ssem):
    c = lax.axis_index("c")
    s = lax.axis_index("s")
    w = s * NC + c
    r0 = s * rows_per_tile
    pltpu.sync_copy(zeros_hbm, agg_sh.at[pl.ds(r0, rows_per_tile)])
    plsc.subcore_barrier()

    bufs = (rows0, rows1)
    nh = nchunk // 2
    for p in range(2):
        pltpu.sync_copy(src_hbm.at[w, pl.ds(p * nh, nh)], idx_src)
        pltpu.sync_copy(dst_hbm.at[w, pl.ds(p * nh, nh)], idx_dst)
        pltpu.async_copy(h_hbm.at[idx_src.at[0]], rows0, gsem)

        def chunk(k, carry):
            for t in range(2):
                j = 2 * k + t
                buf, nxt = bufs[t], bufs[1 - t]
                pltpu.make_async_copy(h_hbm.at[idx_src.at[j]], buf,
                                      gsem).wait()

                @pl.when(j >= 1)
                def _wait_prev_scatter():
                    pltpu.make_async_copy(
                        nxt, agg_sh.at[idx_dst.at[j - 1]], ssem).wait()

                @pl.when(j + 1 < nh)
                def _prefetch():
                    pltpu.async_copy(h_hbm.at[idx_src.at[j + 1]], nxt, gsem)

                pltpu.async_copy(buf, agg_sh.at[idx_dst.at[j]], ssem,
                                 add=True)
            return carry

        lax.fori_loop(0, nh // 2, chunk, 0)
        pltpu.make_async_copy(bufs[(nh - 1) % 2],
                              agg_sh.at[idx_dst.at[nh - 1]], ssem).wait()
    plsc.subcore_barrier()
    pltpu.sync_copy(agg_sh.at[pl.ds(r0, rows_per_tile)],
                    agg_hbm.at[c, pl.ds(r0, rows_per_tile)])


def _norm_packed(parts):
    deg = jnp.sum(parts, axis=0)
    return jnp.where(deg > 0.0, lax.rsqrt(jnp.maximum(deg, 1.0)), 0.0)


def _norms_body(po_ref, pi_ref, no_ref, ni_ref):
    no_ref[...] = _norm_packed(po_ref[...])
    ni_ref[...] = _norm_packed(pi_ref[...])


def _h_body(no_ref, x_ref, h_ref):
    h_ref[...] = x_ref[...] * no_ref[...]


def _out_body(agg_ref, ni_ref, x_ref, w_ref, b_ref, rw_ref,
              rb_ref, g_ref, be_ref, o_ref):
    n = x_ref.shape[0]
    agg = (agg_ref[0, :n] + agg_ref[1, :n]) * ni_ref[...]
    conv = jnp.dot(agg, w_ref[...], preferred_element_type=jnp.float32)
    conv = jnp.maximum(conv + b_ref[...], 0.0)
    res = jnp.dot(x_ref[...], rw_ref[...], preferred_element_type=jnp.float32)
    res = jnp.maximum(res + rb_ref[...], 0.0)
    out = conv + res
    mean = jnp.sum(out, axis=0, keepdims=True) / n
    cen = out - mean
    var = jnp.sum(cen * cen, axis=0, keepdims=True) / n
    o_ref[...] = cen * lax.rsqrt(var + 1e-5) * g_ref[...] + be_ref[...]


def kernel(node_feats, edge_index, W, b, res_W, res_b, gamma, beta):
    x = node_feats
    n, d = x.shape
    e = edge_index.shape[1]
    assert e % (NW * L) == 0
    e_per_tile = e // NW
    cw = 125 if e_per_tile % 125 == 0 else 128
    assert e_per_tile % cw == 0
    nchunk = e_per_tile // cw

    npad = -(-n // 2048) * 2048
    rows_p = npad // 128
    rows_per_tile = npad // NS

    src = edge_index[0].astype(jnp.int32)
    dst = edge_index[1].astype(jnp.int32)
    nrow = -(-e_per_tile // 128)
    nvec = nrow * 8
    pad = nrow * 128 - e_per_tile

    def _pad128(a):
        a = a.reshape(NW, e_per_tile)
        a = jnp.pad(a, ((0, 0), (0, pad)), constant_values=npad - 1)
        return a.reshape(NW, nrow, 128)

    src16 = _pad128(src)
    dst16 = _pad128(dst)
    src3 = src.reshape(NW, nchunk, cw)
    dst3 = dst.reshape(NW, nchunk, cw)

    f32 = jnp.float32
    zeros_deg = jnp.zeros((rows_p, 128), f32)
    zeros_msg = jnp.zeros((rows_per_tile, d), f32)

    deg_fn = pl.kernel(
        functools.partial(_deg_body, nvec),
        out_type=[jax.ShapeDtypeStruct((NW, rows_p, 128), f32),
                  jax.ShapeDtypeStruct((NW, rows_p, 128), f32)],
        mesh=_sc_mesh(),
        scratch_types=[
            pltpu.VMEM((nrow, 128), jnp.int32),
            pltpu.VMEM((nrow, 128), jnp.int32),
            pltpu.VMEM((rows_p, 128), f32),
            pltpu.VMEM((rows_p, 128), f32),
        ],
        compiler_params=pltpu.CompilerParams(needs_layout_passes=False),
    )
    dego, degi = deg_fn(src16, dst16, zeros_deg)

    norm_o_p, norm_i_p = pl.pallas_call(
        _norms_body,
        out_shape=[jax.ShapeDtypeStruct((rows_p, 128), f32)] * 2,
    )(dego, degi)
    norm_o = norm_o_p.reshape(npad, 1)[:n]
    norm_i = norm_i_p.reshape(npad, 1)[:n]

    h = pl.pallas_call(
        _h_body,
        out_shape=jax.ShapeDtypeStruct((n, d), f32),
    )(norm_o, x)

    msg_fn = pl.kernel(
        functools.partial(_msg_body, nchunk, rows_per_tile),
        out_type=jax.ShapeDtypeStruct((NC, npad, d), f32),
        mesh=_sc_mesh(),
        scratch_types=[
            pltpu.VMEM((nchunk // 2, cw), jnp.int32),
            pltpu.VMEM((nchunk // 2, cw), jnp.int32),
            pltpu.VMEM((cw, d), f32),
            pltpu.VMEM((cw, d), f32),
            pltpu.VMEM_SHARED((npad, d), f32),
            pltpu.SemaphoreType.DMA,
            pltpu.SemaphoreType.DMA,
        ],
    )
    agg = msg_fn(h, src3, dst3, zeros_msg)

    out = pl.pallas_call(
        _out_body,
        out_shape=jax.ShapeDtypeStruct((n, d), f32),
    )(agg, norm_i, x, W, b, res_W, res_b, gamma, beta)
    return out

# --- scband reference (transcript-rebuilt; emitter-appended) ---
"""Pipeline reference for scband-res-gcnlayer-30210799960859 (READ-ONLY COPY).

The authoritative reference and input builder live on the scoring server;
editing this copy changes nothing except your own understanding.
"""

import jax, jax.numpy as jnp
import numpy as np

N = 10000
E = 320000
D = 128

def setup_inputs(seed: int = 0) -> dict:
    key = jax.random.key(seed)
    k1, k2, k3, k4, k5, k6, k7, k8 = jax.random.split(key, 8)
    node_feats = jax.random.normal(k1, (N, D), dtype=jnp.float32)
    edge_index = jax.random.randint(k2, (2, E), 0, N, dtype=jnp.int64)
    W = jax.random.normal(k3, (D, D), dtype=jnp.float32) * 0.05
    b = jnp.zeros((D,), dtype=jnp.float32)
    res_W = jax.random.normal(k4, (D, D), dtype=jnp.float32) * 0.05
    res_b = jnp.zeros((D,), dtype=jnp.float32)
    gamma = jnp.ones((D,), dtype=jnp.float32)
    beta = jnp.zeros((D,), dtype=jnp.float32)
    return {"node_feats": node_feats, "edge_index": edge_index, "W": W, "b": b, "res_W": res_W, "res_b": res_b, "gamma": gamma, "beta": beta}

def reference(node_feats, edge_index, W, b, res_W, res_b, gamma, beta):
    # DGL GraphConv with norm='both', bias=True, activation=relu
    n = node_feats.shape[0]
    src = edge_index[0]
    dst = edge_index[1]
    deg_out = jnp.zeros((n,), dtype=jnp.float32).at[src].add(1.0)
    deg_in = jnp.zeros((n,), dtype=jnp.float32).at[dst].add(1.0)
    norm_src = jnp.where(deg_out > 0, jax.lax.rsqrt(jnp.maximum(deg_out, 1.0)), 0.0)
    norm_dst = jnp.where(deg_in > 0, jax.lax.rsqrt(jnp.maximum(deg_in, 1.0)), 0.0)
    h = node_feats * norm_src[:, None]
    msg = jnp.take(h, src, axis=0)
    agg = jax.ops.segment_sum(msg, dst, num_segments=n)
    agg = agg * norm_dst[:, None]
    conv = jax.nn.relu(agg @ W + b)
    # residual branch: activation(Linear(node_feats))
    res = jax.nn.relu(node_feats @ res_W + res_b)
    out = conv + res
    # BatchNorm1d in training mode (batch statistics)
    mean = jnp.mean(out, axis=0)
    var = jnp.var(out, axis=0)
    out = (out - mean) * jax.lax.rsqrt(var + 1e-5) * gamma + beta
    return out

if __name__ == "__main__":
    import jax
    _d = setup_inputs()
    print(jax.jit(kernel)(*tuple(_d.values())))

</pallas_src>

<mosaic_0001>
#map = affine_map<(d0, d1) -> (0, 0, 0)>
#map1 = affine_map<(d0, d1) -> (0, 0)>
module attributes {stable_mosaic.version = 14 : i64} {
  func.func @_deg_body(%arg0: i32, %arg1: i32, %arg2: memref<32x79x128xi32, #tpu.memory_space<hbm>>, %arg3: memref<32x79x128xi32, #tpu.memory_space<hbm>>, %arg4: memref<80x128xf32, #tpu.memory_space<hbm>>, %arg5: memref<32x80x128xf32, #tpu.memory_space<hbm>>, %arg6: memref<32x80x128xf32, #tpu.memory_space<hbm>>, %arg7: memref<79x128xi32, #tpu.memory_space<vmem>>, %arg8: memref<79x128xi32, #tpu.memory_space<vmem>>, %arg9: memref<80x128xf32, #tpu.memory_space<vmem>>, %arg10: memref<80x128xf32, #tpu.memory_space<vmem>>) attributes {dimension_semantics = [#tpu.dimension_semantics<core_parallel>, #tpu.dimension_semantics<subcore_parallel>], iteration_bounds = array<i64: 2, 16>, scalar_prefetch = 0 : i64, scratch_operands = 4 : i64, tpu.core_type = #tpu.core_type<sc_vector_subcore>, window_params = [{transform_indices = #map}, {transform_indices = #map}, {transform_indices = #map1}, {transform_indices = #map}, {transform_indices = #map}]} {
    %mul3A = arith.constant 2 : i32
    %mul3A_0 = arith.muli %arg1, %mul3A : i32
    %add3A = arith.addi %mul3A_0, %arg0 : i32
    "tpu.region"() ({
      %run_scoped3A = tpu.sem_alloc : memref<!tpu.dma_semaphore, #tpu.memory_space<semaphore_mem>>
      tpu.enqueue_dma source(%arg4 : memref<80x128xf32, #tpu.memory_space<hbm>>) target(%arg9 : memref<80x128xf32, #tpu.memory_space<vmem>>) target_semaphore(%run_scoped3A : memref<!tpu.dma_semaphore, #tpu.memory_space<semaphore_mem>>)
      tpu.wait_dma2 semaphore(%run_scoped3A : memref<!tpu.dma_semaphore, #tpu.memory_space<semaphore_mem>>) src(%arg4 : memref<80x128xf32, #tpu.memory_space<hbm>>) dst(%arg9 : memref<80x128xf32, #tpu.memory_space<vmem>>)
      tpu.yield
    }) : () -> ()
    "tpu.region"() ({
      %run_scoped3A = tpu.sem_alloc : memref<!tpu.dma_semaphore, #tpu.memory_space<semaphore_mem>>
      tpu.enqueue_dma source(%arg4 : memref<80x128xf32, #tpu.memory_space<hbm>>) target(%arg10 : memref<80x128xf32, #tpu.memory_space<vmem>>) target_semaphore(%run_scoped3A : memref<!tpu.dma_semaphore, #tpu.memory_space<semaphore_mem>>)
      tpu.wait_dma2 semaphore(%run_scoped3A : memref<!tpu.dma_semaphore, #tpu.memory_space<semaphore_mem>>) src(%arg4 : memref<80x128xf32, #tpu.memory_space<hbm>>) dst(%arg10 : memref<80x128xf32, #tpu.memory_space<vmem>>)
      tpu.yield
    }) : () -> ()
    "tpu.region"() ({
      %run_scoped3A = tpu.sem_alloc : memref<!tpu.dma_semaphore, #tpu.memory_space<semaphore_mem>>
      %dma_start3A = arith.constant 0 : i32
      %dma_start3A_6 = arith.constant 0 : i32
      %dma_start3A_7 = tpu.memref_slice %arg2[%add3A, %dma_start3A, %dma_start3A_6] : memref<32x79x128xi32, #tpu.memory_space<hbm>> -> memref<1x79x128xi32, #tpu.memory_space<hbm>>
      %dma_start3A_8 = tpu.memref_squeeze %dma_start3A_7 : memref<1x79x128xi32, #tpu.memory_space<hbm>> -> memref<79x128xi32, #tpu.memory_space<hbm>>
      %dma_start3A_9 = arith.constant 0 : i32
      %dma_start3A_10 = arith.constant 0 : i32
      %dma_start3A_11 = tpu.memref_slice %arg2[%add3A, %dma_start3A_9, %dma_start3A_10] : memref<32x79x128xi32, #tpu.memory_space<hbm>> -> memref<1x79x128xi32, #tpu.memory_space<hbm>>
      %dma_start3A_12 = tpu.memref_squeeze %dma_start3A_11 : memref<1x79x128xi32, #tpu.memory_space<hbm>> -> memref<79x128xi32, #tpu.memory_space<hbm>>
      tpu.enqueue_dma source(%dma_start3A_12 : memref<79x128xi32, #tpu.memory_space<hbm>>) target(%arg7 : memref<79x128xi32, #tpu.memory_space<vmem>>) target_semaphore(%run_scoped3A : memref<!tpu.dma_semaphore, #tpu.memory_space<semaphore_mem>>)
      %dma_wait3A = arith.constant 0 : i32
      %dma_wait3A_13 = arith.constant 0 : i32
      %dma_wait3A_14 = tpu.memref_slice %arg2[%add3A, %dma_wait3A, %dma_wait3A_13] : memref<32x79x128xi32, #tpu.memory_space<hbm>> -> memref<1x79x128xi32, #tpu.memory_space<hbm>>
      %dma_wait3A_15 = tpu.memref_squeeze %dma_wait3A_14 : memref<1x79x128xi32, #tpu.memory_space<hbm>> -> memref<79x128xi32, #tpu.memory_space<hbm>>
      %dma_wait3A_16 = arith.constant 0 : i32
      %dma_wait3A_17 = arith.constant 0 : i32
      %dma_wait3A_18 = tpu.memref_slice %arg2[%add3A, %dma_wait3A_16, %dma_wait3A_17] : memref<32x79x128xi32, #tpu.memory_space<hbm>> -> memref<1x79x128xi32, #tpu.memory_space<hbm>>
      %dma_wait3A_19 = tpu.memref_squeeze %dma_wait3A_18 : memref<1x79x128xi32, #tpu.memory_space<hbm>> -> memref<79x128xi32, #tpu.memory_space<hbm>>
      tpu.wait_dma2 semaphore(%run_scoped3A : memref<!tpu.dma_semaphore, #tpu.memory_space<semaphore_mem>>) src(%dma_wait3A_19 : memref<79x128xi32, #tpu.memory_space<hbm>>) dst(%arg7 : memref<79x128xi32, #tpu.memory_space<vmem>>)
      tpu.yield
    }) : () -> ()
    "tpu.region"() ({
      %run_scoped3A = tpu.sem_alloc : memref<!tpu.dma_semaphore, #tpu.memory_space<semaphore_mem>>
      %dma_start3A = arith.constant 0 : i32
      %dma_start3A_6 = arith.constant 0 : i32
      %dma_start3A_7 = tpu.memref_slice %arg3[%add3A, %dma_start3A, %dma_start3A_6] : memref<32x79x128xi32, #tpu.memory_space<hbm>> -> memref<1x79x128xi32, #tpu.memory_space<hbm>>
      %dma_start3A_8 = tpu.memref_squeeze %dma_start3A_7 : memref<1x79x128xi32, #tpu.memory_space<hbm>> -> memref<79x128xi32, #tpu.memory_space<hbm>>
      %dma_start3A_9 = arith.constant 0 : i32
      %dma_start3A_10 = arith.constant 0 : i32
      %dma_start3A_11 = tpu.memref_slice %arg3[%add3A, %dma_start3A_9, %dma_start3A_10] : memref<32x79x128xi32, #tpu.memory_space<hbm>> -> memref<1x79x128xi32, #tpu.memory_space<hbm>>
      %dma_start3A_12 = tpu.memref_squeeze %dma_start3A_11 : memref<1x79x128xi32, #tpu.memory_space<hbm>> -> memref<79x128xi32, #tpu.memory_space<hbm>>
      tpu.enqueue_dma source(%dma_start3A_12 : memref<79x128xi32, #tpu.memory_space<hbm>>) target(%arg8 : memref<79x128xi32, #tpu.memory_space<vmem>>) target_semaphore(%run_scoped3A : memref<!tpu.dma_semaphore, #tpu.memory_space<semaphore_mem>>)
      %dma_wait3A = arith.constant 0 : i32
      %dma_wait3A_13 = arith.constant 0 : i32
      %dma_wait3A_14 = tpu.memref_slice %arg3[%add3A, %dma_wait3A, %dma_wait3A_13] : memref<32x79x128xi32, #tpu.memory_space<hbm>> -> memref<1x79x128xi32, #tpu.memory_space<hbm>>
      %dma_wait3A_15 = tpu.memref_squeeze %dma_wait3A_14 : memref<1x79x128xi32, #tpu.memory_space<hbm>> -> memref<79x128xi32, #tpu.memory_space<hbm>>
      %dma_wait3A_16 = arith.constant 0 : i32
      %dma_wait3A_17 = arith.constant 0 : i32
      %dma_wait3A_18 = tpu.memref_slice %arg3[%add3A, %dma_wait3A_16, %dma_wait3A_17] : memref<32x79x128xi32, #tpu.memory_space<hbm>> -> memref<1x79x128xi32, #tpu.memory_space<hbm>>
      %dma_wait3A_19 = tpu.memref_squeeze %dma_wait3A_18 : memref<1x79x128xi32, #tpu.memory_space<hbm>> -> memref<79x128xi32, #tpu.memory_space<hbm>>
      tpu.wait_dma2 semaphore(%run_scoped3A : memref<!tpu.dma_semaphore, #tpu.memory_space<semaphore_mem>>) src(%dma_wait3A_19 : memref<79x128xi32, #tpu.memory_space<hbm>>) dst(%arg8 : memref<79x128xi32, #tpu.memory_space<vmem>>)
      tpu.yield
    }) : () -> ()
    %scan3A = arith.constant 0 : i32
    %scan3A_1 = arith.constant 0 : i32
    %scan3A_2 = arith.constant 79 : i32
    %scan3A_3 = arith.addi %scan3A_1, %scan3A_2 : i32
    %scan3A_4 = arith.constant 1 : i32
    scf.for %scan3A_6 = %scan3A_1 to %scan3A_3 step %scan3A_4  : i32 {
      %get3A = arith.index_cast %scan3A_6 : i32 to index
      %get3A_7 = arith.constant 0 : index
      %get3A_8 = tpu.vector_load %arg7[%get3A, %get3A_7] {strides = array<i32>} : memref<79x128xi32, #tpu.memory_space<vmem>>, vector<16xi32>,
      %broadcast_in_dim3A = arith.constant true
      %broadcast_in_dim3A_9 = vector.broadcast %broadcast_in_dim3A : i1 to vector<16xi1>
      %unique3A, %unique3A_10 = tpu.scan_count mask(%broadcast_in_dim3A_9 : vector<16xi1>) value(%get3A_8 : vector<16xi32>) : vector<16xi1>, vector<16xi32>
      %shift_right_logical3A = arith.constant 7 : i32
      %shift_right_logical3A_11 = vector.broadcast %shift_right_logical3A : i32 to vector<16xi32>
      %shift_right_logical3A_12 = arith.shrui %get3A_8, %shift_right_logical3A_11 : vector<16xi32>
      %and3A = arith.constant 127 : i32
      %and3A_13 = vector.broadcast %and3A : i32 to vector<16xi32>
      %and3A_14 = arith.andi %get3A_8, %and3A_13 : vector<16xi32>
      %convert_element_type3A = arith.sitofp %unique3A_10 : vector<16xi32> to vector<16xf32>
      tpu.vector_store_idx %arg9[%shift_right_logical3A_12, %and3A_14], %convert_element_type3A masked %unique3A {add = true} : memref<80x128xf32, #tpu.memory_space<vmem>>[vector<16xi32>, vector<16xi32>], vector<16xf32>, vector<16xi1>
      %get3A_15 = arith.index_cast %scan3A_6 : i32 to index
      %get3A_16 = arith.constant 16 : index
      %get3A_17 = tpu.vector_load %arg7[%get3A_15, %get3A_16] {strides = array<i32>} : memref<79x128xi32, #tpu.memory_space<vmem>>, vector<16xi32>,
      %broadcast_in_dim3A_18 = arith.constant true
      %broadcast_in_dim3A_19 = vector.broadcast %broadcast_in_dim3A_18 : i1 to vector<16xi1>
      %unique3A_20, %unique3A_21 = tpu.scan_count mask(%broadcast_in_dim3A_19 : vector<16xi1>) value(%get3A_17 : vector<16xi32>) : vector<16xi1>, vector<16xi32>
      %shift_right_logical3A_22 = arith.constant 7 : i32
      %shift_right_logical3A_23 = vector.broadcast %shift_right_logical3A_22 : i32 to vector<16xi32>
      %shift_right_logical3A_24 = arith.shrui %get3A_17, %shift_right_logical3A_23 : vector<16xi32>
      %and3A_25 = arith.constant 127 : i32
      %and3A_26 = vector.broadcast %and3A_25 : i32 to vector<16xi32>
      %and3A_27 = arith.andi %get3A_17, %and3A_26 : vector<16xi32>
      %convert_element_type3A_28 = arith.sitofp %unique3A_21 : vector<16xi32> to vector<16xf32>
      tpu.vector_store_idx %arg9[%shift_right_logical3A_24, %and3A_27], %convert_element_type3A_28 masked %unique3A_20 {add = true} : memref<80x128xf32, #tpu.memory_space<vmem>>[vector<16xi32>, vector<16xi32>], vector<16xf32>, vector<16xi1>
      %get3A_29 = arith.index_cast %scan3A_6 : i32 to index
      %get3A_30 = arith.constant 32 : index
      %get3A_31 = tpu.vector_load %arg7[%get3A_29, %get3A_30] {strides = array<i32>} : memref<79x128xi32, #tpu.memory_space<vmem>>, vector<16xi32>,
      %broadcast_in_dim3A_32 = arith.constant true
      %broadcast_in_dim3A_33 = vector.broadcast %broadcast_in_dim3A_32 : i1 to vector<16xi1>
      %unique3A_34, %unique3A_35 = tpu.scan_count mask(%broadcast_in_dim3A_33 : vector<16xi1>) value(%get3A_31 : vector<16xi32>) : vector<16xi1>, vector<16xi32>
      %shift_right_logical3A_36 = arith.constant 7 : i32
      %shift_right_logical3A_37 = vector.broadcast %shift_right_logical3A_36 : i32 to vector<16xi32>
      %shift_right_logical3A_38 = arith.shrui %get3A_31, %shift_right_logical3A_37 : vector<16xi32>
      %and3A_39 = arith.constant 127 : i32
      %and3A_40 = vector.broadcast %and3A_39 : i32 to vector<16xi32>
      %and3A_41 = arith.andi %get3A_31, %and3A_40 : vector<16xi32>
      %convert_element_type3A_42 = arith.sitofp %unique3A_35 : vector<16xi32> to vector<16xf32>
      tpu.vector_store_idx %arg9[%shift_right_logical3A_38, %and3A_41], %convert_element_type3A_42 masked %unique3A_34 {add = true} : memref<80x128xf32, #tpu.memory_space<vmem>>[vector<16xi32>, vector<16xi32>], vector<16xf32>, vector<16xi1>
      %get3A_43 = arith.index_cast %scan3A_6 : i32 to index
      %get3A_44 = arith.constant 48 : index
      %get3A_45 = tpu.vector_load %arg7[%get3A_43, %get3A_44] {strides = array<i32>} : memref<79x128xi32, #tpu.memory_space<vmem>>, vector<16xi32>,
      %broadcast_in_dim3A_46 = arith.constant true
      %broadcast_in_dim3A_47 = vector.broadcast %broadcast_in_dim3A_46 : i1 to vector<16xi1>
      %unique3A_48, %unique3A_49 = tpu.scan_count mask(%broadcast_in_dim3A_47 : vector<16xi1>) value(%get3A_45 : vector<16xi32>) : vector<16xi1>, vector<16xi32>
      %shift_right_logical3A_50 = arith.constant 7 : i32
      %shift_right_logical3A_51 = vector.broadcast %shift_right_logical3A_50 : i32 to vector<16xi32>
      %shift_right_logical3A_52 = arith.shrui %get3A_45, %shift_right_logical3A_51 : vector<16xi32>
      %and3A_53 = arith.constant 127 : i32
      %and3A_54 = vector.broadcast %and3A_53 : i32 to vector<16xi32>
      %and3A_55 = arith.andi %get3A_45, %and3A_54 : vector<16xi32>
      %convert_element_type3A_56 = arith.sitofp %unique3A_49 : vector<16xi32> to vector<16xf32>
      tpu.vector_store_idx %arg9[%shift_right_logical3A_52, %and3A_55], %convert_element_type3A_56 masked %unique3A_48 {add = true} : memref<80x128xf32, #tpu.memory_space<vmem>>[vector<16xi32>, vector<16xi32>], vector<16xf32>, vector<16xi1>
      %get3A_57 = arith.index_cast %scan3A_6 : i32 to index
      %get3A_58 = arith.constant 64 : index
      %get3A_59 = tpu.vector_load %arg7[%get3A_57, %get3A_58] {strides = array<i32>} : memref<79x128xi32, #tpu.memory_space<vmem>>, vector<16xi32>,
      %broadcast_in_dim3A_60 = arith.constant true
      %broadcast_in_dim3A_61 = vector.broadcast %broadcast_in_dim3A_60 : i1 to vector<16xi1>
      %unique3A_62, %unique3A_63 = tpu.scan_count mask(%broadcast_in_dim3A_61 : vector<16xi1>) value(%get3A_59 : vector<16xi32>) : vector<16xi1>, vector<16xi32>
      %shift_right_logical3A_64 = arith.constant 7 : i32
      %shift_right_logical3A_65 = vector.broadcast %shift_right_logical3A_64 : i32 to vector<16xi32>
      %shift_right_logical3A_66 = arith.shrui %get3A_59, %shift_right_logical3A_65 : vector<16xi32>
      %and3A_67 = arith.constant 127 : i32
      %and3A_68 = vector.broadcast %and3A_67 : i32 to vector<16xi32>
      %and3A_69 = arith.andi %get3A_59, %and3A_68 : vector<16xi32>
      %convert_element_type3A_70 = arith.sitofp %unique3A_63 : vector<16xi32> to vector<16xf32>
      tpu.vector_store_idx %arg9[%shift_right_logical3A_66, %and3A_69], %convert_element_type3A_70 masked %unique3A_62 {add = true} : memref<80x128xf32, #tpu.memory_space<vmem>>[vector<16xi32>, vector<16xi32>], vector<16xf32>, vector<16xi1>
      %get3A_71 = arith.index_cast %scan3A_6 : i32 to index
      %get3A_72 = arith.constant 80 : index
      %get3A_73 = tpu.vector_load %arg7[%get3A_71, %get3A_72] {strides = array<i32>} : memref<79x128xi32, #tpu.memory_space<vmem>>, vector<16xi32>,
      %broadcast_in_dim3A_74 = arith.constant true
      %broadcast_in_dim3A_75 = vector.broadcast %broadcast_in_dim3A_74 : i1 to vector<16xi1>
      %unique3A_76, %unique3A_77 = tpu.scan_count mask(%broadcast_in_dim3A_75 : vector<16xi1>) value(%get3A_73 : vector<16xi32>) : vector<16xi1>, vector<16xi32>
      %shift_right_logical3A_78 = arith.constant 7 : i32
      %shift_right_logical3A_79 = vector.broadcast %shift_right_logical3A_78 : i32 to vector<16xi32>
      %shift_right_logical3A_80 = arith.shrui %get3A_73, %shift_right_logical3A_79 : vector<16xi32>
      %and3A_81 = arith.constant 127 : i32
      %and3A_82 = vector.broadcast %and3A_81 : i32 to vector<16xi32>
      %and3A_83 = arith.andi %get3A_73, %and3A_82 : vector<16xi32>
      %convert_element_type3A_84 = arith.sitofp %unique3A_77 : vector<16xi32> to vector<16xf32>
      tpu.vector_store_idx %arg9[%shift_right_logical3A_80, %and3A_83], %convert_element_type3A_84 masked %unique3A_76 {add = true} : memref<80x128xf32, #tpu.memory_space<vmem>>[vector<16xi32>, vector<16xi32>], vector<16xf32>, vector<16xi1>
      %get3A_85 = arith.index_cast %scan3A_6 : i32 to index
      %get3A_86 = arith.constant 96 : index
      %get3A_87 = tpu.vector_load %arg7[%get3A_85, %get3A_86] {strides = array<i32>} : memref<79x128xi32, #tpu.memory_space<vmem>>, vector<16xi32>,
      %broadcast_in_dim3A_88 = arith.constant true
      %broadcast_in_dim3A_89 = vector.broadcast %broadcast_in_dim3A_88 : i1 to vector<16xi1>
      %unique3A_90, %unique3A_91 = tpu.scan_count mask(%broadcast_in_dim3A_89 : vector<16xi1>) value(%get3A_87 : vector<16xi32>) : vector<16xi1>, vector<16xi32>
      %shift_right_logical3A_92 = arith.constant 7 : i32
      %shift_right_logical3A_93 = vector.broadcast %shift_right_logical3A_92 : i32 to vector<16xi32>
      %shift_right_logical3A_94 = arith.shrui %get3A_87, %shift_right_logical3A_93 : vector<16xi32>
      %and3A_95 = arith.constant 127 : i32
      %and3A_96 = vector.broadcast %and3A_95 : i32 to vector<16xi32>
      %and3A_97 = arith.andi %get3A_87, %and3A_96 : vector<16xi32>
      %convert_element_type3A_98 = arith.sitofp %unique3A_91 : vector<16xi32> to vector<16xf32>
      tpu.vector_store_idx %arg9[%shift_right_logical3A_94, %and3A_97], %convert_element_type3A_98 masked %unique3A_90 {add = true} : memref<80x128xf32, #tpu.memory_space<vmem>>[vector<16xi32>, vector<16xi32>], vector<16xf32>, vector<16xi1>
      %get3A_99 = arith.index_cast %scan3A_6 : i32 to index
      %get3A_100 = arith.constant 112 : index
      %get3A_101 = tpu.vector_load %arg7[%get3A_99, %get3A_100] {strides = array<i32>} : memref<79x128xi32, #tpu.memory_space<vmem>>, vector<16xi32>,
      %broadcast_in_dim3A_102 = arith.constant true
      %broadcast_in_dim3A_103 = vector.broadcast %broadcast_in_dim3A_102 : i1 to vector<16xi1>
      %unique3A_104, %unique3A_105 = tpu.scan_count mask(%broadcast_in_dim3A_103 : vector<16xi1>) value(%get3A_101 : vector<16xi32>) : vector<16xi1>, vector<16xi32>
      %shift_right_logical3A_106 = arith.constant 7 : i32
      %shift_right_logical3A_107 = vector.broadcast %shift_right_logical3A_106 : i32 to vector<16xi32>
      %shift_right_logical3A_108 = arith.shrui %get3A_101, %shift_right_logical3A_107 : vector<16xi32>
      %and3A_109 = arith.constant 127 : i32
      %and3A_110 = vector.broadcast %and3A_109 : i32 to vector<16xi32>
      %and3A_111 = arith.andi %get3A_101, %and3A_110 : vector<16xi32>
      %convert_element_type3A_112 = arith.sitofp %unique3A_105 : vector<16xi32> to vector<16xf32>
      tpu.vector_store_idx %arg9[%shift_right_logical3A_108, %and3A_111], %convert_element_type3A_112 masked %unique3A_104 {add = true} : memref<80x128xf32, #tpu.memory_space<vmem>>[vector<16xi32>, vector<16xi32>], vector<16xf32>, vector<16xi1>
      %get3A_113 = arith.index_cast %scan3A_6 : i32 to index
      %get3A_114 = arith.constant 0 : index
      %get3A_115 = tpu.vector_load %arg8[%get3A_113, %get3A_114] {strides = array<i32>} : memref<79x128xi32, #tpu.memory_space<vmem>>, vector<16xi32>,
      %broadcast_in_dim3A_116 = arith.constant true
      %broadcast_in_dim3A_117 = vector.broadcast %broadcast_in_dim3A_116 : i1 to vector<16xi1>
      %unique3A_118, %unique3A_119 = tpu.scan_count mask(%broadcast_in_dim3A_117 : vector<16xi1>) value(%get3A_115 : vector<16xi32>) : vector<16xi1>, vector<16xi32>
      %shift_right_logical3A_120 = arith.constant 7 : i32
      %shift_right_logical3A_121 = vector.broadcast %shift_right_logical3A_120 : i32 to vector<16xi32>
      %shift_right_logical3A_122 = arith.shrui %get3A_115, %shift_right_logical3A_121 : vector<16xi32>
      %and3A_123 = arith.constant 127 : i32
      %and3A_124 = vector.broadcast %and3A_123 : i32 to vector<16xi32>
      %and3A_125 = arith.andi %get3A_115, %and3A_124 : vector<16xi32>
      %convert_element_type3A_126 = arith.sitofp %unique3A_119 : vector<16xi32> to vector<16xf32>
      tpu.vector_store_idx %arg10[%shift_right_logical3A_122, %and3A_125], %convert_element_type3A_126 masked %unique3A_118 {add = true} : memref<80x128xf32, #tpu.memory_space<vmem>>[vector<16xi32>, vector<16xi32>], vector<16xf32>, vector<16xi1>
      %get3A_127 = arith.index_cast %scan3A_6 : i32 to index
      %get3A_128 = arith.constant 16 : index
      %get3A_129 = tpu.vector_load %arg8[%get3A_127, %get3A_128] {strides = array<i32>} : memref<79x128xi32, #tpu.memory_space<vmem>>, vector<16xi32>,
      %broadcast_in_dim3A_130 = arith.constant true
      %broadcast_in_dim3A_131 = vector.broadcast %broadcast_in_dim3A_130 : i1 to vector<16xi1>
      %unique3A_132, %unique3A_133 = tpu.scan_count mask(%broadcast_in_dim3A_131 : vector<16xi1>) value(%get3A_129 : vector<16xi32>) : vector<16xi1>, vector<16xi32>
      %shift_right_logical3A_134 = arith.constant 7 : i32
      %shift_right_logical3A_135 = vector.broadcast %shift_right_logical3A_134 : i32 to vector<16xi32>
      %shift_right_logical3A_136 = arith.shrui %get3A_129, %shift_right_logical3A_135 : vector<16xi32>
      %and3A_137 = arith.constant 127 : i32
      %and3A_138 = vector.broadcast %and3A_137 : i32 to vector<16xi32>
      %and3A_139 = arith.andi %get3A_129, %and3A_138 : vector<16xi32>
      %convert_element_type3A_140 = arith.sitofp %unique3A_133 : vector<16xi32> to vector<16xf32>
      tpu.vector_store_idx %arg10[%shift_right_logical3A_136, %and3A_139], %convert_element_type3A_140 masked %unique3A_132 {add = true} : memref<80x128xf32, #tpu.memory_space<vmem>>[vector<16xi32>, vector<16xi32>], vector<16xf32>, vector<16xi1>
      %get3A_141 = arith.index_cast %scan3A_6 : i32 to index
      %get3A_142 = arith.constant 32 : index
      %get3A_143 = tpu.vector_load %arg8[%get3A_141, %get3A_142] {strides = array<i32>} : memref<79x128xi32, #tpu.memory_space<vmem>>, vector<16xi32>,
      %broadcast_in_dim3A_144 = arith.constant true
      %broadcast_in_dim3A_145 = vector.broadcast %broadcast_in_dim3A_144 : i1 to vector<16xi1>
      %unique3A_146, %unique3A_147 = tpu.scan_count mask(%broadcast_in_dim3A_145 : vector<16xi1>) value(%get3A_143 : vector<16xi32>) : vector<16xi1>, vector<16xi32>
      %shift_right_logical3A_148 = arith.constant 7 : i32
      %shift_right_logical3A_149 = vector.broadcast %shift_right_logical3A_148 : i32 to vector<16xi32>
      %shift_right_logical3A_150 = arith.shrui %get3A_143, %shift_right_logical3A_149 : vector<16xi32>
      %and3A_151 = arith.constant 127 : i32
      %and3A_152 = vector.broadcast %and3A_151 : i32 to vector<16xi32>
      %and3A_153 = arith.andi %get3A_143, %and3A_152 : vector<16xi32>
      %convert_element_type3A_154 = arith.sitofp %unique3A_147 : vector<16xi32> to vector<16xf32>
      tpu.vector_store_idx %arg10[%shift_right_logical3A_150, %and3A_153], %convert_element_type3A_154 masked %unique3A_146 {add = true} : memref<80x128xf32, #tpu.memory_space<vmem>>[vector<16xi32>, vector<16xi32>], vector<16xf32>, vector<16xi1>
      %get3A_155 = arith.index_cast %scan3A_6 : i32 to index
      %get3A_156 = arith.constant 48 : index
      %get3A_157 = tpu.vector_load %arg8[%get3A_155, %get3A_156] {strides = array<i32>} : memref<79x128xi32, #tpu.memory_space<vmem>>, vector<16xi32>,
      %broadcast_in_dim3A_158 = arith.constant true
      %broadcast_in_dim3A_159 = vector.broadcast %broadcast_in_dim3A_158 : i1 to vector<16xi1>
      %unique3A_160, %unique3A_161 = tpu.scan_count mask(%broadcast_in_dim3A_159 : vector<16xi1>) value(%get3A_157 : vector<16xi32>) : vector<16xi1>, vector<16xi32>
      %shift_right_logical3A_162 = arith.constant 7 : i32
      %shift_right_logical3A_163 = vector.broadcast %shift_right_logical3A_162 : i32 to vector<16xi32>
      %shift_right_logical3A_164 = arith.shrui %get3A_157, %shift_right_logical3A_163 : vector<16xi32>
      %and3A_165 = arith.constant 127 : i32
      %and3A_166 = vector.broadcast %and3A_165 : i32 to vector<16xi32>
      %and3A_167 = arith.andi %get3A_157, %and3A_166 : vector<16xi32>
      %convert_element_type3A_168 = arith.sitofp %unique3A_161 : vector<16xi32> to vector<16xf32>
      tpu.vector_store_idx %arg10[%shift_right_logical3A_164, %and3A_167], %convert_element_type3A_168 masked %unique3A_160 {add = true} : memref<80x128xf32, #tpu.memory_space<vmem>>[vector<16xi32>, vector<16xi32>], vector<16xf32>, vector<16xi1>
      %get3A_169 = arith.index_cast %scan3A_6 : i32 to index
      %get3A_170 = arith.constant 64 : index
      %get3A_171 = tpu.vector_load %arg8[%get3A_169, %get3A_170] {strides = array<i32>} : memref<79x128xi32, #tpu.memory_space<vmem>>, vector<16xi32>,
      %broadcast_in_dim3A_172 = arith.constant true
      %broadcast_in_dim3A_173 = vector.broadcast %broadcast_in_dim3A_172 : i1 to vector<16xi1>
      %unique3A_174, %unique3A_175 = tpu.scan_count mask(%broadcast_in_dim3A_173 : vector<16xi1>) value(%get3A_171 : vector<16xi32>) : vector<16xi1>, vector<16xi32>
      %shift_right_logical3A_176 = arith.constant 7 : i32
      %shift_right_logical3A_177 = vector.broadcast %shift_right_logical3A_176 : i32 to vector<16xi32>
      %shift_right_logical3A_178 = arith.shrui %get3A_171, %shift_right_logical3A_177 : vector<16xi32>
      %and3A_179 = arith.constant 127 : i32
      %and3A_180 = vector.broadcast %and3A_179 : i32 to vector<16xi32>
      %and3A_181 = arith.andi %get3A_171, %and3A_180 : vector<16xi32>
      %convert_element_type3A_182 = arith.sitofp %unique3A_175 : vector<16xi32> to vector<16xf32>
      tpu.vector_store_idx %arg10[%shift_right_logical3A_178, %and3A_181], %convert_element_type3A_182 masked %unique3A_174 {add = true} : memref<80x128xf32, #tpu.memory_space<vmem>>[vector<16xi32>, vector<16xi32>], vector<16xf32>, vector<16xi1>
      %get3A_183 = arith.index_cast %scan3A_6 : i32 to index
      %get3A_184 = arith.constant 80 : index
      %get3A_185 = tpu.vector_load %arg8[%get3A_183, %get3A_184] {strides = array<i32>} : memref<79x128xi32, #tpu.memory_space<vmem>>, vector<16xi32>,
      %broadcast_in_dim3A_186 = arith.constant true
      %broadcast_in_dim3A_187 = vector.broadcast %broadcast_in_dim3A_186 : i1 to vector<16xi1>
      %unique3A_188, %unique3A_189 = tpu.scan_count mask(%broadcast_in_dim3A_187 : vector<16xi1>) value(%get3A_185 : vector<16xi32>) : vector<16xi1>, vector<16xi32>
      %shift_right_logical3A_190 = arith.constant 7 : i32
      %shift_right_logical3A_191 = vector.broadcast %shift_right_logical3A_190 : i32 to vector<16xi32>
      %shift_right_logical3A_192 = arith.shrui %get3A_185, %shift_right_logical3A_191 : vector<16xi32>
      %and3A_193 = arith.constant 127 : i32
      %and3A_194 = vector.broadcast %and3A_193 : i32 to vector<16xi32>
      %and3A_195 = arith.andi %get3A_185, %and3A_194 : vector<16xi32>
      %convert_element_type3A_196 = arith.sitofp %unique3A_189 : vector<16xi32> to vector<16xf32>
      tpu.vector_store_idx %arg10[%shift_right_logical3A_192, %and3A_195], %convert_element_type3A_196 masked %unique3A_188 {add = true} : memref<80x128xf32, #tpu.memory_space<vmem>>[vector<16xi32>, vector<16xi32>], vector<16xf32>, vector<16xi1>
      %get3A_197 = arith.index_cast %scan3A_6 : i32 to index
      %get3A_198 = arith.constant 96 : index
      %get3A_199 = tpu.vector_load %arg8[%get3A_197, %get3A_198] {strides = array<i32>} : memref<79x128xi32, #tpu.memory_space<vmem>>, vector<16xi32>,
      %broadcast_in_dim3A_200 = arith.constant true
      %broadcast_in_dim3A_201 = vector.broadcast %broadcast_in_dim3A_200 : i1 to vector<16xi1>
      %unique3A_202, %unique3A_203 = tpu.scan_count mask(%broadcast_in_dim3A_201 : vector<16xi1>) value(%get3A_199 : vector<16xi32>) : vector<16xi1>, vector<16xi32>
      %shift_right_logical3A_204 = arith.constant 7 : i32
      %shift_right_logical3A_205 = vector.broadcast %shift_right_logical3A_204 : i32 to vector<16xi32>
      %shift_right_logical3A_206 = arith.shrui %get3A_199, %shift_right_logical3A_205 : vector<16xi32>
      %and3A_207 = arith.constant 127 : i32
      %and3A_208 = vector.broadcast %and3A_207 : i32 to vector<16xi32>
      %and3A_209 = arith.andi %get3A_199, %and3A_208 : vector<16xi32>
      %convert_element_type3A_210 = arith.sitofp %unique3A_203 : vector<16xi32> to vector<16xf32>
      tpu.vector_store_idx %arg10[%shift_right_logical3A_206, %and3A_209], %convert_element_type3A_210 masked %unique3A_202 {add = true} : memref<80x128xf32, #tpu.memory_space<vmem>>[vector<16xi32>, vector<16xi32>], vector<16xf32>, vector<16xi1>
      %get3A_211 = arith.index_cast %scan3A_6 : i32 to index
      %get3A_212 = arith.constant 112 : index
      %get3A_213 = tpu.vector_load %arg8[%get3A_211, %get3A_212] {strides = array<i32>} : memref<79x128xi32, #tpu.memory_space<vmem>>, vector<16xi32>,
      %broadcast_in_dim3A_214 = arith.constant true
      %broadcast_in_dim3A_215 = vector.broadcast %broadcast_in_dim3A_214 : i1 to vector<16xi1>
      %unique3A_216, %unique3A_217 = tpu.scan_count mask(%broadcast_in_dim3A_215 : vector<16xi1>) value(%get3A_213 : vector<16xi32>) : vector<16xi1>, vector<16xi32>
      %shift_right_logical3A_218 = arith.constant 7 : i32
      %shift_right_logical3A_219 = vector.broadcast %shift_right_logical3A_218 : i32 to vector<16xi32>
      %shift_right_logical3A_220 = arith.shrui %get3A_213, %shift_right_logical3A_219 : vector<16xi32>
      %and3A_221 = arith.constant 127 : i32
      %and3A_222 = vector.broadcast %and3A_221 : i32 to vector<16xi32>
      %and3A_223 = arith.andi %get3A_213, %and3A_222 : vector<16xi32>
      %convert_element_type3A_224 = arith.sitofp %unique3A_217 : vector<16xi32> to vector<16xf32>
      tpu.vector_store_idx %arg10[%shift_right_logical3A_220, %and3A_223], %convert_element_type3A_224 masked %unique3A_216 {add = true} : memref<80x128xf32, #tpu.memory_space<vmem>>[vector<16xi32>, vector<16xi32>], vector<16xf32>, vector<16xi1>
    }
    %scan3A_5 = arith.constant 79 : i32
    "tpu.region"() ({
      %run_scoped3A = tpu.sem_alloc : memref<!tpu.dma_semaphore, #tpu.memory_space<semaphore_mem>>
      %dma_start3A = arith.constant 0 : i32
      %dma_start3A_6 = arith.constant 0 : i32
      %dma_start3A_7 = tpu.memref_slice %arg5[%add3A, %dma_start3A, %dma_start3A_6] : memref<32x80x128xf32, #tpu.memory_space<hbm>> -> memref<1x80x128xf32, #tpu.memory_space<hbm>>
      %dma_start3A_8 = tpu.memref_squeeze %dma_start3A_7 : memref<1x80x128xf32, #tpu.memory_space<hbm>> -> memref<80x128xf32, #tpu.memory_space<hbm>>
      %dma_start3A_9 = arith.constant 0 : i32
      %dma_start3A_10 = arith.constant 0 : i32
      %dma_start3A_11 = tpu.memref_slice %arg5[%add3A, %dma_start3A_9, %dma_start3A_10] : memref<32x80x128xf32, #tpu.memory_space<hbm>> -> memref<1x80x128xf32, #tpu.memory_space<hbm>>
      %dma_start3A_12 = tpu.memref_squeeze %dma_start3A_11 : memref<1x80x128xf32, #tpu.memory_space<hbm>> -> memref<80x128xf32, #tpu.memory_space<hbm>>
      tpu.enqueue_dma source(%arg9 : memref<80x128xf32, #tpu.memory_space<vmem>>) target(%dma_start3A_12 : memref<80x128xf32, #tpu.memory_space<hbm>>) target_semaphore(%run_scoped3A : memref<!tpu.dma_semaphore, #tpu.memory_space<semaphore_mem>>)
      %dma_wait3A = arith.constant 0 : i32
      %dma_wait3A_13 = arith.constant 0 : i32
      %dma_wait3A_14 = tpu.memref_slice %arg5[%add3A, %dma_wait3A, %dma_wait3A_13] : memref<32x80x128xf32, #tpu.memory_space<hbm>> -> memref<1x80x128xf32, #tpu.memory_space<hbm>>
      %dma_wait3A_15 = tpu.memref_squeeze %dma_wait3A_14 : memref<1x80x128xf32, #tpu.memory_space<hbm>> -> memref<80x128xf32, #tpu.memory_space<hbm>>
      %dma_wait3A_16 = arith.constant 0 : i32
      %dma_wait3A_17 = arith.constant 0 : i32
      %dma_wait3A_18 = tpu.memref_slice %arg5[%add3A, %dma_wait3A_16, %dma_wait3A_17] : memref<32x80x128xf32, #tpu.memory_space<hbm>> -> memref<1x80x128xf32, #tpu.memory_space<hbm>>
      %dma_wait3A_19 = tpu.memref_squeeze %dma_wait3A_18 : memref<1x80x128xf32, #tpu.memory_space<hbm>> -> memref<80x128xf32, #tpu.memory_space<hbm>>
      tpu.wait_dma2 semaphore(%run_scoped3A : memref<!tpu.dma_semaphore, #tpu.memory_space<semaphore_mem>>) src(%arg9 : memref<80x128xf32, #tpu.memory_space<vmem>>) dst(%dma_wait3A_19 : memref<80x128xf32, #tpu.memory_space<hbm>>)
      tpu.yield
    }) : () -> ()
    "tpu.region"() ({
      %run_scoped3A = tpu.sem_alloc : memref<!tpu.dma_semaphore, #tpu.memory_space<semaphore_mem>>
      %dma_start3A = arith.constant 0 : i32
      %dma_start3A_6 = arith.constant 0 : i32
      %dma_start3A_7 = tpu.memref_slice %arg6[%add3A, %dma_start3A, %dma_start3A_6] : memref<32x80x128xf32, #tpu.memory_space<hbm>> -> memref<1x80x128xf32, #tpu.memory_space<hbm>>
      %dma_start3A_8 = tpu.memref_squeeze %dma_start3A_7 : memref<1x80x128xf32, #tpu.memory_space<hbm>> -> memref<80x128xf32, #tpu.memory_space<hbm>>
      %dma_start3A_9 = arith.constant 0 : i32
      %dma_start3A_10 = arith.constant 0 : i32
      %dma_start3A_11 = tpu.memref_slice %arg6[%add3A, %dma_start3A_9, %dma_start3A_10] : memref<32x80x128xf32, #tpu.memory_space<hbm>> -> memref<1x80x128xf32, #tpu.memory_space<hbm>>
      %dma_start3A_12 = tpu.memref_squeeze %dma_start3A_11 : memref<1x80x128xf32, #tpu.memory_space<hbm>> -> memref<80x128xf32, #tpu.memory_space<hbm>>
      tpu.enqueue_dma source(%arg10 : memref<80x128xf32, #tpu.memory_space<vmem>>) target(%dma_start3A_12 : memref<80x128xf32, #tpu.memory_space<hbm>>) target_semaphore(%run_scoped3A : memref<!tpu.dma_semaphore, #tpu.memory_space<semaphore_mem>>)
      %dma_wait3A = arith.constant 0 : i32
      %dma_wait3A_13 = arith.constant 0 : i32
      %dma_wait3A_14 = tpu.memref_slice %arg6[%add3A, %dma_wait3A, %dma_wait3A_13] : memref<32x80x128xf32, #tpu.memory_space<hbm>> -> memref<1x80x128xf32, #tpu.memory_space<hbm>>
      %dma_wait3A_15 = tpu.memref_squeeze %dma_wait3A_14 : memref<1x80x128xf32, #tpu.memory_space<hbm>> -> memref<80x128xf32, #tpu.memory_space<hbm>>
      %dma_wait3A_16 = arith.constant 0 : i32
      %dma_wait3A_17 = arith.constant 0 : i32
      %dma_wait3A_18 = tpu.memref_slice %arg6[%add3A, %dma_wait3A_16, %dma_wait3A_17] : memref<32x80x128xf32, #tpu.memory_space<hbm>> -> memref<1x80x128xf32, #tpu.memory_space<hbm>>
      %dma_wait3A_19 = tpu.memref_squeeze %dma_wait3A_18 : memref<1x80x128xf32, #tpu.memory_space<hbm>> -> memref<80x128xf32, #tpu.memory_space<hbm>>
      tpu.wait_dma2 semaphore(%run_scoped3A : memref<!tpu.dma_semaphore, #tpu.memory_space<semaphore_mem>>) src(%arg10 : memref<80x128xf32, #tpu.memory_space<vmem>>) dst(%dma_wait3A_19 : memref<80x128xf32, #tpu.memory_space<hbm>>)
      tpu.yield
    }) : () -> ()
    return
  }
}

#map = affine_map<(d0, d1) -> (0, 0)>
#map1 = affine_map<(d0, d1) -> (0, 0, 0)>
module attributes {stable_mosaic.version = 14 : i64} {
  func.func @_msg_body(%arg0: i32, %arg1: i32, %arg2: memref<10000x128xf32, #tpu.memory_space<hbm>>, %arg3: memref<32x80x125xi32, #tpu.memory_space<hbm>>, %arg4: memref<32x80x125xi32, #tpu.memory_space<hbm>>, %arg5: memref<640x128xf32, #tpu.memory_space<hbm>>, %arg6: memref<2x10240x128xf32, #tpu.memory_space<hbm>>, %arg7: memref<40x125xi32, #tpu.memory_space<vmem>>, %arg8: memref<40x125xi32, #tpu.memory_space<vmem>>, %arg9: memref<125x128xf32, #tpu.memory_space<vmem>>, %arg10: memref<125x128xf32, #tpu.memory_space<vmem>>, %arg11: memref<10240x128xf32, #tpu.memory_space<vmem_shared>>, %arg12: memref<!tpu.dma_semaphore, #tpu.memory_space<semaphore_mem>>, %arg13: memref<!tpu.dma_semaphore, #tpu.memory_space<semaphore_mem>>) attributes {dimension_semantics = [#tpu.dimension_semantics<core_parallel>, #tpu.dimension_semantics<subcore_parallel>], iteration_bounds = array<i64: 2, 16>, scalar_prefetch = 0 : i64, scratch_operands = 7 : i64, tpu.core_type = #tpu.core_type<sc_vector_subcore>, window_params = [{transform_indices = #map}, {transform_indices = #map1}, {transform_indices = #map1}, {transform_indices = #map}, {transform_indices = #map1}]} {
    %mul3A = arith.constant 2 : i32
    %mul3A_0 = arith.muli %arg1, %mul3A : i32
    %add3A = arith.addi %mul3A_0, %arg0 : i32
    %mul3A_1 = arith.constant 640 : i32
    %mul3A_2 = arith.muli %arg1, %mul3A_1 : i32
    "tpu.region"() ({
      %run_scoped3A = tpu.sem_alloc : memref<!tpu.dma_semaphore, #tpu.memory_space<semaphore_mem>>
      %dma_start3A_41 = arith.constant 0 : i32
      %dma_start3A_42 = tpu.memref_slice %arg11[%mul3A_2, %dma_start3A_41] : memref<10240x128xf32, #tpu.memory_space<vmem_shared>> -> memref<640x128xf32, #tpu.memory_space<vmem_shared>>
      tpu.enqueue_dma source(%arg5 : memref<640x128xf32, #tpu.memory_space<hbm>>) target(%dma_start3A_42 : memref<640x128xf32, #tpu.memory_space<vmem_shared>>) target_semaphore(%run_scoped3A : memref<!tpu.dma_semaphore, #tpu.memory_space<semaphore_mem>>)
      %dma_wait3A_43 = arith.constant 0 : i32
      %dma_wait3A_44 = tpu.memref_slice %arg11[%mul3A_2, %dma_wait3A_43] : memref<10240x128xf32, #tpu.memory_space<vmem_shared>> -> memref<640x128xf32, #tpu.memory_space<vmem_shared>>
      tpu.wait_dma2 semaphore(%run_scoped3A : memref<!tpu.dma_semaphore, #tpu.memory_space<semaphore_mem>>) src(%arg5 : memref<640x128xf32, #tpu.memory_space<hbm>>) dst(%dma_wait3A_44 : memref<640x128xf32, #tpu.memory_space<vmem_shared>>)
      tpu.yield
    }) : () -> ()
    %barrier3A = arith.constant 0 : index
    tpu.barrier barrier_id(%barrier3A)
    "tpu.region"() ({
      %run_scoped3A = tpu.sem_alloc : memref<!tpu.dma_semaphore, #tpu.memory_space<semaphore_mem>>
      %dma_start3A_41 = arith.constant 0 : i32
      %dma_start3A_42 = arith.constant 0 : i32
      %dma_start3A_43 = tpu.memref_slice %arg3[%add3A, %dma_start3A_41, %dma_start3A_42] : memref<32x80x125xi32, #tpu.memory_space<hbm>> -> memref<1x40x125xi32, #tpu.memory_space<hbm>>
      %dma_start3A_44 = tpu.memref_squeeze %dma_start3A_43 : memref<1x40x125xi32, #tpu.memory_space<hbm>> -> memref<40x125xi32, #tpu.memory_space<hbm>>
      %dma_start3A_45 = arith.constant 0 : i32
      %dma_start3A_46 = arith.constant 0 : i32
      %dma_start3A_47 = tpu.memref_slice %arg3[%add3A, %dma_start3A_45, %dma_start3A_46] : memref<32x80x125xi32, #tpu.memory_space<hbm>> -> memref<1x40x125xi32, #tpu.memory_space<hbm>>
      %dma_start3A_48 = tpu.memref_squeeze %dma_start3A_47 : memref<1x40x125xi32, #tpu.memory_space<hbm>> -> memref<40x125xi32, #tpu.memory_space<hbm>>
      tpu.enqueue_dma source(%dma_start3A_48 : memref<40x125xi32, #tpu.memory_space<hbm>>) target(%arg7 : memref<40x125xi32, #tpu.memory_space<vmem>>) target_semaphore(%run_scoped3A : memref<!tpu.dma_semaphore, #tpu.memory_space<semaphore_mem>>)
      %dma_wait3A_49 = arith.constant 0 : i32
      %dma_wait3A_50 = arith.constant 0 : i32
      %dma_wait3A_51 = tpu.memref_slice %arg3[%add3A, %dma_wait3A_49, %dma_wait3A_50] : memref<32x80x125xi32, #tpu.memory_space<hbm>> -> memref<1x40x125xi32, #tpu.memory_space<hbm>>
      %dma_wait3A_52 = tpu.memref_squeeze %dma_wait3A_51 : memref<1x40x125xi32, #tpu.memory_space<hbm>> -> memref<40x125xi32, #tpu.memory_space<hbm>>
      %dma_wait3A_53 = arith.constant 0 : i32
      %dma_wait3A_54 = arith.constant 0 : i32
      %dma_wait3A_55 = tpu.memref_slice %arg3[%add3A, %dma_wait3A_53, %dma_wait3A_54] : memref<32x80x125xi32, #tpu.memory_space<hbm>> -> memref<1x40x125xi32, #tpu.memory_space<hbm>>
      %dma_wait3A_56 = tpu.memref_squeeze %dma_wait3A_55 : memref<1x40x125xi32, #tpu.memory_space<hbm>> -> memref<40x125xi32, #tpu.memory_space<hbm>>
      tpu.wait_dma2 semaphore(%run_scoped3A : memref<!tpu.dma_semaphore, #tpu.memory_space<semaphore_mem>>) src(%dma_wait3A_56 : memref<40x125xi32, #tpu.memory_space<hbm>>) dst(%arg7 : memref<40x125xi32, #tpu.memory_space<vmem>>)
      tpu.yield
    }) : () -> ()
    "tpu.region"() ({
      %run_scoped3A = tpu.sem_alloc : memref<!tpu.dma_semaphore, #tpu.memory_space<semaphore_mem>>
      %dma_start3A_41 = arith.constant 0 : i32
      %dma_start3A_42 = arith.constant 0 : i32
      %dma_start3A_43 = tpu.memref_slice %arg4[%add3A, %dma_start3A_41, %dma_start3A_42] : memref<32x80x125xi32, #tpu.memory_space<hbm>> -> memref<1x40x125xi32, #tpu.memory_space<hbm>>
      %dma_start3A_44 = tpu.memref_squeeze %dma_start3A_43 : memref<1x40x125xi32, #tpu.memory_space<hbm>> -> memref<40x125xi32, #tpu.memory_space<hbm>>
      %dma_start3A_45 = arith.constant 0 : i32
      %dma_start3A_46 = arith.constant 0 : i32
      %dma_start3A_47 = tpu.memref_slice %arg4[%add3A, %dma_start3A_45, %dma_start3A_46] : memref<32x80x125xi32, #tpu.memory_space<hbm>> -> memref<1x40x125xi32, #tpu.memory_space<hbm>>
      %dma_start3A_48 = tpu.memref_squeeze %dma_start3A_47 : memref<1x40x125xi32, #tpu.memory_space<hbm>> -> memref<40x125xi32, #tpu.memory_space<hbm>>
      tpu.enqueue_dma source(%dma_start3A_48 : memref<40x125xi32, #tpu.memory_space<hbm>>) target(%arg8 : memref<40x125xi32, #tpu.memory_space<vmem>>) target_semaphore(%run_scoped3A : memref<!tpu.dma_semaphore, #tpu.memory_space<semaphore_mem>>)
      %dma_wait3A_49 = arith.constant 0 : i32
      %dma_wait3A_50 = arith.constant 0 : i32
      %dma_wait3A_51 = tpu.memref_slice %arg4[%add3A, %dma_wait3A_49, %dma_wait3A_50] : memref<32x80x125xi32, #tpu.memory_space<hbm>> -> memref<1x40x125xi32, #tpu.memory_space<hbm>>
      %dma_wait3A_52 = tpu.memref_squeeze %dma_wait3A_51 : memref<1x40x125xi32, #tpu.memory_space<hbm>> -> memref<40x125xi32, #tpu.memory_space<hbm>>
      %dma_wait3A_53 = arith.constant 0 : i32
      %dma_wait3A_54 = arith.constant 0 : i32
      %dma_wait3A_55 = tpu.memref_slice %arg4[%add3A, %dma_wait3A_53, %dma_wait3A_54] : memref<32x80x125xi32, #tpu.memory_space<hbm>> -> memref<1x40x125xi32, #tpu.memory_space<hbm>>
      %dma_wait3A_56 = tpu.memref_squeeze %dma_wait3A_55 : memref<1x40x125xi32, #tpu.memory_space<hbm>> -> memref<40x125xi32, #tpu.memory_space<hbm>>
      tpu.wait_dma2 semaphore(%run_scoped3A : memref<!tpu.dma_semaphore, #tpu.memory_space<semaphore_mem>>) src(%dma_wait3A_56 : memref<40x125xi32, #tpu.memory_space<hbm>>) dst(%arg8 : memref<40x125xi32, #tpu.memory_space<vmem>>)
      tpu.yield
    }) : () -> ()
    %dma_start3A = arith.constant 0 : i32
    %dma_start3A_3 = arith.constant 0 : i32
    %dma_start3A_4 = tpu.memref_slice %arg7[%dma_start3A, %dma_start3A_3] : memref<40x125xi32, #tpu.memory_space<vmem>> -> memref<1x125xi32, #tpu.memory_space<vmem>>
    %dma_start3A_5 = tpu.memref_squeeze %dma_start3A_4 : memref<1x125xi32, #tpu.memory_space<vmem>> -> memref<125xi32, #tpu.memory_space<vmem>>
    %dma_start3A_6 = arith.constant 0 : i32
    %dma_start3A_7 = arith.constant 0 : i32
    %dma_start3A_8 = tpu.memref_slice %arg2[%dma_start3A_6, %dma_start3A_7] : memref<10000x128xf32, #tpu.memory_space<hbm>> -> memref<10000x128xf32, #tpu.memory_space<hbm>>
    tpu.enqueue_indirect_dma source(%dma_start3A_8 : memref<10000x128xf32, #tpu.memory_space<hbm>>) target(%arg9 : memref<125x128xf32, #tpu.memory_space<vmem>>) offsets(%dma_start3A_5 : memref<125xi32, #tpu.memory_space<vmem>>) semaphore(%arg12 : memref<!tpu.dma_semaphore, #tpu.memory_space<semaphore_mem>>)
    %scan3A = arith.constant 0 : i32
    %scan3A_9 = arith.constant 0 : i32
    %scan3A_10 = arith.constant 20 : i32
    %scan3A_11 = arith.addi %scan3A_9, %scan3A_10 : i32
    %scan3A_12 = arith.constant 1 : i32
    scf.for %scan3A_41 = %scan3A_9 to %scan3A_11 step %scan3A_12  : i32 {
      %mul3A_42 = arith.constant 2 : i32
      %mul3A_43 = arith.muli %mul3A_42, %scan3A_41 : i32
      %add3A_44 = arith.constant 0 : i32
      %add3A_45 = arith.addi %mul3A_43, %add3A_44 : i32
      %dma_wait3A_46 = arith.constant 0 : i32
      %dma_wait3A_47 = tpu.memref_slice %arg7[%add3A_45, %dma_wait3A_46] : memref<40x125xi32, #tpu.memory_space<vmem>> -> memref<1x125xi32, #tpu.memory_space<vmem>>
      %dma_wait3A_48 = tpu.memref_squeeze %dma_wait3A_47 : memref<1x125xi32, #tpu.memory_space<vmem>> -> memref<125xi32, #tpu.memory_space<vmem>>
      %dma_wait3A_49 = arith.constant 0 : i32
      %dma_wait3A_50 = arith.constant 0 : i32
      %dma_wait3A_51 = tpu.memref_slice %arg2[%dma_wait3A_49, %dma_wait3A_50] : memref<10000x128xf32, #tpu.memory_space<hbm>> -> memref<10000x128xf32, #tpu.memory_space<hbm>>
      tpu.wait_indirect_dma semaphore(%arg12 : memref<!tpu.dma_semaphore, #tpu.memory_space<semaphore_mem>>) src(%dma_wait3A_51 : memref<10000x128xf32, #tpu.memory_space<hbm>>) dst(%arg9 : memref<125x128xf32, #tpu.memory_space<vmem>>)
      %ge3A = arith.constant 1 : i32
      %ge3A_52 = arith.cmpi sge, %add3A_45, %ge3A : i32
      %convert_element_type3A = arith.extui %ge3A_52 : i1 to i32
      %cond3A = arith.constant 0 : i32
      %cond3A_53 = arith.cmpi ne, %convert_element_type3A, %cond3A : i32
      scf.if %cond3A_53 {
        %sub3A = arith.constant 1 : i32
        %sub3A_94 = arith.subi %add3A_45, %sub3A : i32
        %dma_wait3A_95 = arith.constant 0 : i32
        %dma_wait3A_96 = tpu.memref_slice %arg8[%sub3A_94, %dma_wait3A_95] : memref<40x125xi32, #tpu.memory_space<vmem>> -> memref<1x125xi32, #tpu.memory_space<vmem>>
        %dma_wait3A_97 = tpu.memref_squeeze %dma_wait3A_96 : memref<1x125xi32, #tpu.memory_space<vmem>> -> memref<125xi32, #tpu.memory_space<vmem>>
        %dma_wait3A_98 = arith.constant 0 : i32
        %dma_wait3A_99 = arith.constant 0 : i32
        %dma_wait3A_100 = tpu.memref_slice %arg11[%dma_wait3A_98, %dma_wait3A_99] : memref<10240x128xf32, #tpu.memory_space<vmem_shared>> -> memref<10240x128xf32, #tpu.memory_space<vmem_shared>>
        tpu.wait_indirect_dma semaphore(%arg13 : memref<!tpu.dma_semaphore, #tpu.memory_space<semaphore_mem>>) src(%arg10 : memref<125x128xf32, #tpu.memory_space<vmem>>) dst(%dma_wait3A_100 : memref<10240x128xf32, #tpu.memory_space<vmem_shared>>)
      } else {
      }
      %add3A_54 = arith.constant 1 : i32
      %add3A_55 = arith.addi %add3A_45, %add3A_54 : i32
      %lt3A = arith.constant 40 : i32
      %lt3A_56 = arith.cmpi slt, %add3A_55, %lt3A : i32
      %convert_element_type3A_57 = arith.extui %lt3A_56 : i1 to i32
      %cond3A_58 = arith.constant 0 : i32
      %cond3A_59 = arith.cmpi ne, %convert_element_type3A_57, %cond3A_58 : i32
      scf.if %cond3A_59 {
        %add3A_94 = arith.constant 1 : i32
        %add3A_95 = arith.addi %add3A_45, %add3A_94 : i32
        %dma_start3A_96 = arith.constant 0 : i32
        %dma_start3A_97 = tpu.memref_slice %arg7[%add3A_95, %dma_start3A_96] : memref<40x125xi32, #tpu.memory_space<vmem>> -> memref<1x125xi32, #tpu.memory_space<vmem>>
        %dma_start3A_98 = tpu.memref_squeeze %dma_start3A_97 : memref<1x125xi32, #tpu.memory_space<vmem>> -> memref<125xi32, #tpu.memory_space<vmem>>
        %dma_start3A_99 = arith.constant 0 : i32
        %dma_start3A_100 = arith.constant 0 : i32
        %dma_start3A_101 = tpu.memref_slice %arg2[%dma_start3A_99, %dma_start3A_100] : memref<10000x128xf32, #tpu.memory_space<hbm>> -> memref<10000x128xf32, #tpu.memory_space<hbm>>
        tpu.enqueue_indirect_dma source(%dma_start3A_101 : memref<10000x128xf32, #tpu.memory_space<hbm>>) target(%arg10 : memref<125x128xf32, #tpu.memory_space<vmem>>) offsets(%dma_start3A_98 : memref<125xi32, #tpu.memory_space<vmem>>) semaphore(%arg12 : memref<!tpu.dma_semaphore, #tpu.memory_space<semaphore_mem>>)
      } else {
      }
      %dma_start3A_60 = arith.constant 0 : i32
      %dma_start3A_61 = tpu.memref_slice %arg8[%add3A_45, %dma_start3A_60] : memref<40x125xi32, #tpu.memory_space<vmem>> -> memref<1x125xi32, #tpu.memory_space<vmem>>
      %dma_start3A_62 = tpu.memref_squeeze %dma_start3A_61 : memref<1x125xi32, #tpu.memory_space<vmem>> -> memref<125xi32, #tpu.memory_space<vmem>>
      %dma_start3A_63 = arith.constant 0 : i32
      %dma_start3A_64 = arith.constant 0 : i32
      %dma_start3A_65 = tpu.memref_slice %arg11[%dma_start3A_63, %dma_start3A_64] : memref<10240x128xf32, #tpu.memory_space<vmem_shared>> -> memref<10240x128xf32, #tpu.memory_space<vmem_shared>>
      tpu.enqueue_indirect_dma source(%arg9 : memref<125x128xf32, #tpu.memory_space<vmem>>) target(%dma_start3A_65 : memref<10240x128xf32, #tpu.memory_space<vmem_shared>>) offsets(%dma_start3A_62 : memref<125xi32, #tpu.memory_space<vmem>>) semaphore(%arg13 : memref<!tpu.dma_semaphore, #tpu.memory_space<semaphore_mem>>) {add = true}
      %mul3A_66 = arith.constant 2 : i32
      %mul3A_67 = arith.muli %mul3A_66, %scan3A_41 : i32
      %add3A_68 = arith.constant 1 : i32
      %add3A_69 = arith.addi %mul3A_67, %add3A_68 : i32
      %dma_wait3A_70 = arith.constant 0 : i32
      %dma_wait3A_71 = tpu.memref_slice %arg7[%add3A_69, %dma_wait3A_70] : memref<40x125xi32, #tpu.memory_space<vmem>> -> memref<1x125xi32, #tpu.memory_space<vmem>>
      %dma_wait3A_72 = tpu.memref_squeeze %dma_wait3A_71 : memref<1x125xi32, #tpu.memory_space<vmem>> -> memref<125xi32, #tpu.memory_space<vmem>>
      %dma_wait3A_73 = arith.constant 0 : i32
      %dma_wait3A_74 = arith.constant 0 : i32
      %dma_wait3A_75 = tpu.memref_slice %arg2[%dma_wait3A_73, %dma_wait3A_74] : memref<10000x128xf32, #tpu.memory_space<hbm>> -> memref<10000x128xf32, #tpu.memory_space<hbm>>
      tpu.wait_indirect_dma semaphore(%arg12 : memref<!tpu.dma_semaphore, #tpu.memory_space<semaphore_mem>>) src(%dma_wait3A_75 : memref<10000x128xf32, #tpu.memory_space<hbm>>) dst(%arg10 : memref<125x128xf32, #tpu.memory_space<vmem>>)
      %ge3A_76 = arith.constant 1 : i32
      %ge3A_77 = arith.cmpi sge, %add3A_69, %ge3A_76 : i32
      %convert_element_type3A_78 = arith.extui %ge3A_77 : i1 to i32
      %cond3A_79 = arith.constant 0 : i32
      %cond3A_80 = arith.cmpi ne, %convert_element_type3A_78, %cond3A_79 : i32
      scf.if %cond3A_80 {
        %sub3A = arith.constant 1 : i32
        %sub3A_94 = arith.subi %add3A_69, %sub3A : i32
        %dma_wait3A_95 = arith.constant 0 : i32
        %dma_wait3A_96 = tpu.memref_slice %arg8[%sub3A_94, %dma_wait3A_95] : memref<40x125xi32, #tpu.memory_space<vmem>> -> memref<1x125xi32, #tpu.memory_space<vmem>>
        %dma_wait3A_97 = tpu.memref_squeeze %dma_wait3A_96 : memref<1x125xi32, #tpu.memory_space<vmem>> -> memref<125xi32, #tpu.memory_space<vmem>>
        %dma_wait3A_98 = arith.constant 0 : i32
        %dma_wait3A_99 = arith.constant 0 : i32
        %dma_wait3A_100 = tpu.memref_slice %arg11[%dma_wait3A_98, %dma_wait3A_99] : memref<10240x128xf32, #tpu.memory_space<vmem_shared>> -> memref<10240x128xf32, #tpu.memory_space<vmem_shared>>
        tpu.wait_indirect_dma semaphore(%arg13 : memref<!tpu.dma_semaphore, #tpu.memory_space<semaphore_mem>>) src(%arg9 : memref<125x128xf32, #tpu.memory_space<vmem>>) dst(%dma_wait3A_100 : memref<10240x128xf32, #tpu.memory_space<vmem_shared>>)
      } else {
      }
      %add3A_81 = arith.constant 1 : i32
      %add3A_82 = arith.addi %add3A_69, %add3A_81 : i32
      %lt3A_83 = arith.constant 40 : i32
      %lt3A_84 = arith.cmpi slt, %add3A_82, %lt3A_83 : i32
      %convert_element_type3A_85 = arith.extui %lt3A_84 : i1 to i32
      %cond3A_86 = arith.constant 0 : i32
      %cond3A_87 = arith.cmpi ne, %convert_element_type3A_85, %cond3A_86 : i32
      scf.if %cond3A_87 {
        %add3A_94 = arith.constant 1 : i32
        %add3A_95 = arith.addi %add3A_69, %add3A_94 : i32
        %dma_start3A_96 = arith.constant 0 : i32
        %dma_start3A_97 = tpu.memref_slice %arg7[%add3A_95, %dma_start3A_96] : memref<40x125xi32, #tpu.memory_space<vmem>> -> memref<1x125xi32, #tpu.memory_space<vmem>>
        %dma_start3A_98 = tpu.memref_squeeze %dma_start3A_97 : memref<1x125xi32, #tpu.memory_space<vmem>> -> memref<125xi32, #tpu.memory_space<vmem>>
        %dma_start3A_99 = arith.constant 0 : i32
        %dma_start3A_100 = arith.constant 0 : i32
        %dma_start3A_101 = tpu.memref_slice %arg2[%dma_start3A_99, %dma_start3A_100] : memref<10000x128xf32, #tpu.memory_space<hbm>> -> memref<10000x128xf32, #tpu.memory_space<hbm>>
        tpu.enqueue_indirect_dma source(%dma_start3A_101 : memref<10000x128xf32, #tpu.memory_space<hbm>>) target(%arg9 : memref<125x128xf32, #tpu.memory_space<vmem>>) offsets(%dma_start3A_98 : memref<125xi32, #tpu.memory_space<vmem>>) semaphore(%arg12 : memref<!tpu.dma_semaphore, #tpu.memory_space<semaphore_mem>>)
      } else {
      }
      %dma_start3A_88 = arith.constant 0 : i32
      %dma_start3A_89 = tpu.memref_slice %arg8[%add3A_69, %dma_start3A_88] : memref<40x125xi32, #tpu.memory_space<vmem>> -> memref<1x125xi32, #tpu.memory_space<vmem>>
      %dma_start3A_90 = tpu.memref_squeeze %dma_start3A_89 : memref<1x125xi32, #tpu.memory_space<vmem>> -> memref<125xi32, #tpu.memory_space<vmem>>
      %dma_start3A_91 = arith.constant 0 : i32
      %dma_start3A_92 = arith.constant 0 : i32
      %dma_start3A_93 = tpu.memref_slice %arg11[%dma_start3A_91, %dma_start3A_92] : memref<10240x128xf32, #tpu.memory_space<vmem_shared>> -> memref<10240x128xf32, #tpu.memory_space<vmem_shared>>
      tpu.enqueue_indirect_dma source(%arg10 : memref<125x128xf32, #tpu.memory_space<vmem>>) target(%dma_start3A_93 : memref<10240x128xf32, #tpu.memory_space<vmem_shared>>) offsets(%dma_start3A_90 : memref<125xi32, #tpu.memory_space<vmem>>) semaphore(%arg13 : memref<!tpu.dma_semaphore, #tpu.memory_space<semaphore_mem>>) {add = true}
    }
    %scan3A_13 = arith.constant 20 : i32
    %dma_wait3A = arith.constant 39 : i32
    %dma_wait3A_14 = arith.constant 0 : i32
    %dma_wait3A_15 = tpu.memref_slice %arg8[%dma_wait3A, %dma_wait3A_14] : memref<40x125xi32, #tpu.memory_space<vmem>> -> memref<1x125xi32, #tpu.memory_space<vmem>>
    %dma_wait3A_16 = tpu.memref_squeeze %dma_wait3A_15 : memref<1x125xi32, #tpu.memory_space<vmem>> -> memref<125xi32, #tpu.memory_space<vmem>>
    %dma_wait3A_17 = arith.constant 0 : i32
    %dma_wait3A_18 = arith.constant 0 : i32
    %dma_wait3A_19 = tpu.memref_slice %arg11[%dma_wait3A_17, %dma_wait3A_18] : memref<10240x128xf32, #tpu.memory_space<vmem_shared>> -> memref<10240x128xf32, #tpu.memory_space<vmem_shared>>
    tpu.wait_indirect_dma semaphore(%arg13 : memref<!tpu.dma_semaphore, #tpu.memory_space<semaphore_mem>>) src(%arg10 : memref<125x128xf32, #tpu.memory_space<vmem>>) dst(%dma_wait3A_19 : memref<10240x128xf32, #tpu.memory_space<vmem_shared>>)
    "tpu.region"() ({
      %run_scoped3A = tpu.sem_alloc : memref<!tpu.dma_semaphore, #tpu.memory_space<semaphore_mem>>
      %dma_start3A_41 = arith.constant 40 : i32
      %dma_start3A_42 = arith.constant 0 : i32
      %dma_start3A_43 = tpu.memref_slice %arg3[%add3A, %dma_start3A_41, %dma_start3A_42] : memref<32x80x125xi32, #tpu.memory_space<hbm>> -> memref<1x40x125xi32, #tpu.memory_space<hbm>>
      %dma_start3A_44 = tpu.memref_squeeze %dma_start3A_43 : memref<1x40x125xi32, #tpu.memory_space<hbm>> -> memref<40x125xi32, #tpu.memory_space<hbm>>
      %dma_start3A_45 = arith.constant 40 : i32
      %dma_start3A_46 = arith.constant 0 : i32
      %dma_start3A_47 = tpu.memref_slice %arg3[%add3A, %dma_start3A_45, %dma_start3A_46] : memref<32x80x125xi32, #tpu.memory_space<hbm>> -> memref<1x40x125xi32, #tpu.memory_space<hbm>>
      %dma_start3A_48 = tpu.memref_squeeze %dma_start3A_47 : memref<1x40x125xi32, #tpu.memory_space<hbm>> -> memref<40x125xi32, #tpu.memory_space<hbm>>
      tpu.enqueue_dma source(%dma_start3A_48 : memref<40x125xi32, #tpu.memory_space<hbm>>) target(%arg7 : memref<40x125xi32, #tpu.memory_space<vmem>>) target_semaphore(%run_scoped3A : memref<!tpu.dma_semaphore, #tpu.memory_space<semaphore_mem>>)
      %dma_wait3A_49 = arith.constant 40 : i32
      %dma_wait3A_50 = arith.constant 0 : i32
      %dma_wait3A_51 = tpu.memref_slice %arg3[%add3A, %dma_wait3A_49, %dma_wait3A_50] : memref<32x80x125xi32, #tpu.memory_space<hbm>> -> memref<1x40x125xi32, #tpu.memory_space<hbm>>
      %dma_wait3A_52 = tpu.memref_squeeze %dma_wait3A_51 : memref<1x40x125xi32, #tpu.memory_space<hbm>> -> memref<40x125xi32, #tpu.memory_space<hbm>>
      %dma_wait3A_53 = arith.constant 40 : i32
      %dma_wait3A_54 = arith.constant 0 : i32
      %dma_wait3A_55 = tpu.memref_slice %arg3[%add3A, %dma_wait3A_53, %dma_wait3A_54] : memref<32x80x125xi32, #tpu.memory_space<hbm>> -> memref<1x40x125xi32, #tpu.memory_space<hbm>>
      %dma_wait3A_56 = tpu.memref_squeeze %dma_wait3A_55 : memref<1x40x125xi32, #tpu.memory_space<hbm>> -> memref<40x125xi32, #tpu.memory_space<hbm>>
      tpu.wait_dma2 semaphore(%run_scoped3A : memref<!tpu.dma_semaphore, #tpu.memory_space<semaphore_mem>>) src(%dma_wait3A_56 : memref<40x125xi32, #tpu.memory_space<hbm>>) dst(%arg7 : memref<40x125xi32, #tpu.memory_space<vmem>>)
      tpu.yield
    }) : () -> ()
    "tpu.region"() ({
      %run_scoped3A = tpu.sem_alloc : memref<!tpu.dma_semaphore, #tpu.memory_space<semaphore_mem>>
      %dma_start3A_41 = arith.constant 40 : i32
      %dma_start3A_42 = arith.constant 0 : i32
      %dma_start3A_43 = tpu.memref_slice %arg4[%add3A, %dma_start3A_41, %dma_start3A_42] : memref<32x80x125xi32, #tpu.memory_space<hbm>> -> memref<1x40x125xi32, #tpu.memory_space<hbm>>
      %dma_start3A_44 = tpu.memref_squeeze %dma_start3A_43 : memref<1x40x125xi32, #tpu.memory_space<hbm>> -> memref<40x125xi32, #tpu.memory_space<hbm>>
      %dma_start3A_45 = arith.constant 40 : i32
      %dma_start3A_46 = arith.constant 0 : i32
      %dma_start3A_47 = tpu.memref_slice %arg4[%add3A, %dma_start3A_45, %dma_start3A_46] : memref<32x80x125xi32, #tpu.memory_space<hbm>> -> memref<1x40x125xi32, #tpu.memory_space<hbm>>
      %dma_start3A_48 = tpu.memref_squeeze %dma_start3A_47 : memref<1x40x125xi32, #tpu.memory_space<hbm>> -> memref<40x125xi32, #tpu.memory_space<hbm>>
      tpu.enqueue_dma source(%dma_start3A_48 : memref<40x125xi32, #tpu.memory_space<hbm>>) target(%arg8 : memref<40x125xi32, #tpu.memory_space<vmem>>) target_semaphore(%run_scoped3A : memref<!tpu.dma_semaphore, #tpu.memory_space<semaphore_mem>>)
      %dma_wait3A_49 = arith.constant 40 : i32
      %dma_wait3A_50 = arith.constant 0 : i32
      %dma_wait3A_51 = tpu.memref_slice %arg4[%add3A, %dma_wait3A_49, %dma_wait3A_50] : memref<32x80x125xi32, #tpu.memory_space<hbm>> -> memref<1x40x125xi32, #tpu.memory_space<hbm>>
      %dma_wait3A_52 = tpu.memref_squeeze %dma_wait3A_51 : memref<1x40x125xi32, #tpu.memory_space<hbm>> -> memref<40x125xi32, #tpu.memory_space<hbm>>
      %dma_wait3A_53 = arith.constant 40 : i32
      %dma_wait3A_54 = arith.constant 0 : i32
      %dma_wait3A_55 = tpu.memref_slice %arg4[%add3A, %dma_wait3A_53, %dma_wait3A_54] : memref<32x80x125xi32, #tpu.memory_space<hbm>> -> memref<1x40x125xi32, #tpu.memory_space<hbm>>
      %dma_wait3A_56 = tpu.memref_squeeze %dma_wait3A_55 : memref<1x40x125xi32, #tpu.memory_space<hbm>> -> memref<40x125xi32, #tpu.memory_space<hbm>>
      tpu.wait_dma2 semaphore(%run_scoped3A : memref<!tpu.dma_semaphore, #tpu.memory_space<semaphore_mem>>) src(%dma_wait3A_56 : memref<40x125xi32, #tpu.memory_space<hbm>>) dst(%arg8 : memref<40x125xi32, #tpu.memory_space<vmem>>)
      tpu.yield
    }) : () -> ()
    %dma_start3A_20 = arith.constant 0 : i32
    %dma_start3A_21 = arith.constant 0 : i32
    %dma_start3A_22 = tpu.memref_slice %arg7[%dma_start3A_20, %dma_start3A_21] : memref<40x125xi32, #tpu.memory_space<vmem>> -> memref<1x125xi32, #tpu.memory_space<vmem>>
    %dma_start3A_23 = tpu.memref_squeeze %dma_start3A_22 : memref<1x125xi32, #tpu.memory_space<vmem>> -> memref<125xi32, #tpu.memory_space<vmem>>
    %dma_start3A_24 = arith.constant 0 : i32
    %dma_start3A_25 = arith.constant 0 : i32
    %dma_start3A_26 = tpu.memref_slice %arg2[%dma_start3A_24, %dma_start3A_25] : memref<10000x128xf32, #tpu.memory_space<hbm>> -> memref<10000x128xf32, #tpu.memory_space<hbm>>
    tpu.enqueue_indirect_dma source(%dma_start3A_26 : memref<10000x128xf32, #tpu.memory_space<hbm>>) target(%arg9 : memref<125x128xf32, #tpu.memory_space<vmem>>) offsets(%dma_start3A_23 : memref<125xi32, #tpu.memory_space<vmem>>) semaphore(%arg12 : memref<!tpu.dma_semaphore, #tpu.memory_space<semaphore_mem>>)
    %scan3A_27 = arith.constant 0 : i32
    %scan3A_28 = arith.constant 0 : i32
    %scan3A_29 = arith.constant 20 : i32
    %scan3A_30 = arith.addi %scan3A_28, %scan3A_29 : i32
    %scan3A_31 = arith.constant 1 : i32
    scf.for %scan3A_41 = %scan3A_28 to %scan3A_30 step %scan3A_31  : i32 {
      %mul3A_42 = arith.constant 2 : i32
      %mul3A_43 = arith.muli %mul3A_42, %scan3A_41 : i32
      %add3A_44 = arith.constant 0 : i32
      %add3A_45 = arith.addi %mul3A_43, %add3A_44 : i32
      %dma_wait3A_46 = arith.constant 0 : i32
      %dma_wait3A_47 = tpu.memref_slice %arg7[%add3A_45, %dma_wait3A_46] : memref<40x125xi32, #tpu.memory_space<vmem>> -> memref<1x125xi32, #tpu.memory_space<vmem>>
      %dma_wait3A_48 = tpu.memref_squeeze %dma_wait3A_47 : memref<1x125xi32, #tpu.memory_space<vmem>> -> memref<125xi32, #tpu.memory_space<vmem>>
      %dma_wait3A_49 = arith.constant 0 : i32
      %dma_wait3A_50 = arith.constant 0 : i32
      %dma_wait3A_51 = tpu.memref_slice %arg2[%dma_wait3A_49, %dma_wait3A_50] : memref<10000x128xf32, #tpu.memory_space<hbm>> -> memref<10000x128xf32, #tpu.memory_space<hbm>>
      tpu.wait_indirect_dma semaphore(%arg12 : memref<!tpu.dma_semaphore, #tpu.memory_space<semaphore_mem>>) src(%dma_wait3A_51 : memref<10000x128xf32, #tpu.memory_space<hbm>>) dst(%arg9 : memref<125x128xf32, #tpu.memory_space<vmem>>)
      %ge3A = arith.constant 1 : i32
      %ge3A_52 = arith.cmpi sge, %add3A_45, %ge3A : i32
      %convert_element_type3A = arith.extui %ge3A_52 : i1 to i32
      %cond3A = arith.constant 0 : i32
      %cond3A_53 = arith.cmpi ne, %convert_element_type3A, %cond3A : i32
      scf.if %cond3A_53 {
        %sub3A = arith.constant 1 : i32
        %sub3A_94 = arith.subi %add3A_45, %sub3A : i32
        %dma_wait3A_95 = arith.constant 0 : i32
        %dma_wait3A_96 = tpu.memref_slice %arg8[%sub3A_94, %dma_wait3A_95] : memref<40x125xi32, #tpu.memory_space<vmem>> -> memref<1x125xi32, #tpu.memory_space<vmem>>
        %dma_wait3A_97 = tpu.memref_squeeze %dma_wait3A_96 : memref<1x125xi32, #tpu.memory_space<vmem>> -> memref<125xi32, #tpu.memory_space<vmem>>
        %dma_wait3A_98 = arith.constant 0 : i32
        %dma_wait3A_99 = arith.constant 0 : i32
        %dma_wait3A_100 = tpu.memref_slice %arg11[%dma_wait3A_98, %dma_wait3A_99] : memref<10240x128xf32, #tpu.memory_space<vmem_shared>> -> memref<10240x128xf32, #tpu.memory_space<vmem_shared>>
        tpu.wait_indirect_dma semaphore(%arg13 : memref<!tpu.dma_semaphore, #tpu.memory_space<semaphore_mem>>) src(%arg10 : memref<125x128xf32, #tpu.memory_space<vmem>>) dst(%dma_wait3A_100 : memref<10240x128xf32, #tpu.memory_space<vmem_shared>>)
      } else {
      }
      %add3A_54 = arith.constant 1 : i32
      %add3A_55 = arith.addi %add3A_45, %add3A_54 : i32
      %lt3A = arith.constant 40 : i32
      %lt3A_56 = arith.cmpi slt, %add3A_55, %lt3A : i32
      %convert_element_type3A_57 = arith.extui %lt3A_56 : i1 to i32
      %cond3A_58 = arith.constant 0 : i32
      %cond3A_59 = arith.cmpi ne, %convert_element_type3A_57, %cond3A_58 : i32
      scf.if %cond3A_59 {
        %add3A_94 = arith.constant 1 : i32
        %add3A_95 = arith.addi %add3A_45, %add3A_94 : i32
        %dma_start3A_96 = arith.constant 0 : i32
        %dma_start3A_97 = tpu.memref_slice %arg7[%add3A_95, %dma_start3A_96] : memref<40x125xi32, #tpu.memory_space<vmem>> -> memref<1x125xi32, #tpu.memory_space<vmem>>
        %dma_start3A_98 = tpu.memref_squeeze %dma_start3A_97 : memref<1x125xi32, #tpu.memory_space<vmem>> -> memref<125xi32, #tpu.memory_space<vmem>>
        %dma_start3A_99 = arith.constant 0 : i32
        %dma_start3A_100 = arith.constant 0 : i32
        %dma_start3A_101 = tpu.memref_slice %arg2[%dma_start3A_99, %dma_start3A_100] : memref<10000x128xf32, #tpu.memory_space<hbm>> -> memref<10000x128xf32, #tpu.memory_space<hbm>>
        tpu.enqueue_indirect_dma source(%dma_start3A_101 : memref<10000x128xf32, #tpu.memory_space<hbm>>) target(%arg10 : memref<125x128xf32, #tpu.memory_space<vmem>>) offsets(%dma_start3A_98 : memref<125xi32, #tpu.memory_space<vmem>>) semaphore(%arg12 : memref<!tpu.dma_semaphore, #tpu.memory_space<semaphore_mem>>)
      } else {
      }
      %dma_start3A_60 = arith.constant 0 : i32
      %dma_start3A_61 = tpu.memref_slice %arg8[%add3A_45, %dma_start3A_60] : memref<40x125xi32, #tpu.memory_space<vmem>> -> memref<1x125xi32, #tpu.memory_space<vmem>>
      %dma_start3A_62 = tpu.memref_squeeze %dma_start3A_61 : memref<1x125xi32, #tpu.memory_space<vmem>> -> memref<125xi32, #tpu.memory_space<vmem>>
      %dma_start3A_63 = arith.constant 0 : i32
      %dma_start3A_64 = arith.constant 0 : i32
      %dma_start3A_65 = tpu.memref_slice %arg11[%dma_start3A_63, %dma_start3A_64] : memref<10240x128xf32, #tpu.memory_space<vmem_shared>> -> memref<10240x128xf32, #tpu.memory_space<vmem_shared>>
      tpu.enqueue_indirect_dma source(%arg9 : memref<125x128xf32, #tpu.memory_space<vmem>>) target(%dma_start3A_65 : memref<10240x128xf32, #tpu.memory_space<vmem_shared>>) offsets(%dma_start3A_62 : memref<125xi32, #tpu.memory_space<vmem>>) semaphore(%arg13 : memref<!tpu.dma_semaphore, #tpu.memory_space<semaphore_mem>>) {add = true}
      %mul3A_66 = arith.constant 2 : i32
      %mul3A_67 = arith.muli %mul3A_66, %scan3A_41 : i32
      %add3A_68 = arith.constant 1 : i32
      %add3A_69 = arith.addi %mul3A_67, %add3A_68 : i32
      %dma_wait3A_70 = arith.constant 0 : i32
      %dma_wait3A_71 = tpu.memref_slice %arg7[%add3A_69, %dma_wait3A_70] : memref<40x125xi32, #tpu.memory_space<vmem>> -> memref<1x125xi32, #tpu.memory_space<vmem>>
      %dma_wait3A_72 = tpu.memref_squeeze %dma_wait3A_71 : memref<1x125xi32, #tpu.memory_space<vmem>> -> memref<125xi32, #tpu.memory_space<vmem>>
      %dma_wait3A_73 = arith.constant 0 : i32
      %dma_wait3A_74 = arith.constant 0 : i32
      %dma_wait3A_75 = tpu.memref_slice %arg2[%dma_wait3A_73, %dma_wait3A_74] : memref<10000x128xf32, #tpu.memory_space<hbm>> -> memref<10000x128xf32, #tpu.memory_space<hbm>>
      tpu.wait_indirect_dma semaphore(%arg12 : memref<!tpu.dma_semaphore, #tpu.memory_space<semaphore_mem>>) src(%dma_wait3A_75 : memref<10000x128xf32, #tpu.memory_space<hbm>>) dst(%arg10 : memref<125x128xf32, #tpu.memory_space<vmem>>)
      %ge3A_76 = arith.constant 1 : i32
      %ge3A_77 = arith.cmpi sge, %add3A_69, %ge3A_76 : i32
      %convert_element_type3A_78 = arith.extui %ge3A_77 : i1 to i32
      %cond3A_79 = arith.constant 0 : i32
      %cond3A_80 = arith.cmpi ne, %convert_element_type3A_78, %cond3A_79 : i32
      scf.if %cond3A_80 {
        %sub3A = arith.constant 1 : i32
        %sub3A_94 = arith.subi %add3A_69, %sub3A : i32
        %dma_wait3A_95 = arith.constant 0 : i32
        %dma_wait3A_96 = tpu.memref_slice %arg8[%sub3A_94, %dma_wait3A_95] : memref<40x125xi32, #tpu.memory_space<vmem>> -> memref<1x125xi32, #tpu.memory_space<vmem>>
        %dma_wait3A_97 = tpu.memref_squeeze %dma_wait3A_96 : memref<1x125xi32, #tpu.memory_space<vmem>> -> memref<125xi32, #tpu.memory_space<vmem>>
        %dma_wait3A_98 = arith.constant 0 : i32
        %dma_wait3A_99 = arith.constant 0 : i32
        %dma_wait3A_100 = tpu.memref_slice %arg11[%dma_wait3A_98, %dma_wait3A_99] : memref<10240x128xf32, #tpu.memory_space<vmem_shared>> -> memref<10240x128xf32, #tpu.memory_space<vmem_shared>>
        tpu.wait_indirect_dma semaphore(%arg13 : memref<!tpu.dma_semaphore, #tpu.memory_space<semaphore_mem>>) src(%arg9 : memref<125x128xf32, #tpu.memory_space<vmem>>) dst(%dma_wait3A_100 : memref<10240x128xf32, #tpu.memory_space<vmem_shared>>)
      } else {
      }
      %add3A_81 = arith.constant 1 : i32
      %add3A_82 = arith.addi %add3A_69, %add3A_81 : i32
      %lt3A_83 = arith.constant 40 : i32
      %lt3A_84 = arith.cmpi slt, %add3A_82, %lt3A_83 : i32
      %convert_element_type3A_85 = arith.extui %lt3A_84 : i1 to i32
      %cond3A_86 = arith.constant 0 : i32
      %cond3A_87 = arith.cmpi ne, %convert_element_type3A_85, %cond3A_86 : i32
      scf.if %cond3A_87 {
        %add3A_94 = arith.constant 1 : i32
        %add3A_95 = arith.addi %add3A_69, %add3A_94 : i32
        %dma_start3A_96 = arith.constant 0 : i32
        %dma_start3A_97 = tpu.memref_slice %arg7[%add3A_95, %dma_start3A_96] : memref<40x125xi32, #tpu.memory_space<vmem>> -> memref<1x125xi32, #tpu.memory_space<vmem>>
        %dma_start3A_98 = tpu.memref_squeeze %dma_start3A_97 : memref<1x125xi32, #tpu.memory_space<vmem>> -> memref<125xi32, #tpu.memory_space<vmem>>
        %dma_start3A_99 = arith.constant 0 : i32
        %dma_start3A_100 = arith.constant 0 : i32
        %dma_start3A_101 = tpu.memref_slice %arg2[%dma_start3A_99, %dma_start3A_100] : memref<10000x128xf32, #tpu.memory_space<hbm>> -> memref<10000x128xf32, #tpu.memory_space<hbm>>
        tpu.enqueue_indirect_dma source(%dma_start3A_101 : memref<10000x128xf32, #tpu.memory_space<hbm>>) target(%arg9 : memref<125x128xf32, #tpu.memory_space<vmem>>) offsets(%dma_start3A_98 : memref<125xi32, #tpu.memory_space<vmem>>) semaphore(%arg12 : memref<!tpu.dma_semaphore, #tpu.memory_space<semaphore_mem>>)
      } else {
      }
      %dma_start3A_88 = arith.constant 0 : i32
      %dma_start3A_89 = tpu.memref_slice %arg8[%add3A_69, %dma_start3A_88] : memref<40x125xi32, #tpu.memory_space<vmem>> -> memref<1x125xi32, #tpu.memory_space<vmem>>
      %dma_start3A_90 = tpu.memref_squeeze %dma_start3A_89 : memref<1x125xi32, #tpu.memory_space<vmem>> -> memref<125xi32, #tpu.memory_space<vmem>>
      %dma_start3A_91 = arith.constant 0 : i32
      %dma_start3A_92 = arith.constant 0 : i32
      %dma_start3A_93 = tpu.memref_slice %arg11[%dma_start3A_91, %dma_start3A_92] : memref<10240x128xf32, #tpu.memory_space<vmem_shared>> -> memref<10240x128xf32, #tpu.memory_space<vmem_shared>>
      tpu.enqueue_indirect_dma source(%arg10 : memref<125x128xf32, #tpu.memory_space<vmem>>) target(%dma_start3A_93 : memref<10240x128xf32, #tpu.memory_space<vmem_shared>>) offsets(%dma_start3A_90 : memref<125xi32, #tpu.memory_space<vmem>>) semaphore(%arg13 : memref<!tpu.dma_semaphore, #tpu.memory_space<semaphore_mem>>) {add = true}
    }
    %scan3A_32 = arith.constant 20 : i32
    %dma_wait3A_33 = arith.constant 39 : i32
    %dma_wait3A_34 = arith.constant 0 : i32
    %dma_wait3A_35 = tpu.memref_slice %arg8[%dma_wait3A_33, %dma_wait3A_34] : memref<40x125xi32, #tpu.memory_space<vmem>> -> memref<1x125xi32, #tpu.memory_space<vmem>>
    %dma_wait3A_36 = tpu.memref_squeeze %dma_wait3A_35 : memref<1x125xi32, #tpu.memory_space<vmem>> -> memref<125xi32, #tpu.memory_space<vmem>>
    %dma_wait3A_37 = arith.constant 0 : i32
    %dma_wait3A_38 = arith.constant 0 : i32
    %dma_wait3A_39 = tpu.memref_slice %arg11[%dma_wait3A_37, %dma_wait3A_38] : memref<10240x128xf32, #tpu.memory_space<vmem_shared>> -> memref<10240x128xf32, #tpu.memory_space<vmem_shared>>
    tpu.wait_indirect_dma semaphore(%arg13 : memref<!tpu.dma_semaphore, #tpu.memory_space<semaphore_mem>>) src(%arg10 : memref<125x128xf32, #tpu.memory_space<vmem>>) dst(%dma_wait3A_39 : memref<10240x128xf32, #tpu.memory_space<vmem_shared>>)
    %barrier3A_40 = arith.constant 0 : index
    tpu.barrier barrier_id(%barrier3A_40)
    "tpu.region"() ({
      %run_scoped3A = tpu.sem_alloc : memref<!tpu.dma_semaphore, #tpu.memory_space<semaphore_mem>>
      %dma_start3A_41 = arith.constant 0 : i32
      %dma_start3A_42 = tpu.memref_slice %arg6[%arg0, %mul3A_2, %dma_start3A_41] : memref<2x10240x128xf32, #tpu.memory_space<hbm>> -> memref<1x640x128xf32, #tpu.memory_space<hbm>>
      %dma_start3A_43 = tpu.memref_squeeze %dma_start3A_42 : memref<1x640x128xf32, #tpu.memory_space<hbm>> -> memref<640x128xf32, #tpu.memory_space<hbm>>
      %dma_start3A_44 = arith.constant 0 : i32
      %dma_start3A_45 = tpu.memref_slice %arg11[%mul3A_2, %dma_start3A_44] : memref<10240x128xf32, #tpu.memory_space<vmem_shared>> -> memref<640x128xf32, #tpu.memory_space<vmem_shared>>
      tpu.enqueue_dma source(%dma_start3A_45 : memref<640x128xf32, #tpu.memory_space<vmem_shared>>) target(%dma_start3A_43 : memref<640x128xf32, #tpu.memory_space<hbm>>) target_semaphore(%run_scoped3A : memref<!tpu.dma_semaphore, #tpu.memory_space<semaphore_mem>>)
      %dma_wait3A_46 = arith.constant 0 : i32
      %dma_wait3A_47 = tpu.memref_slice %arg6[%arg0, %mul3A_2, %dma_wait3A_46] : memref<2x10240x128xf32, #tpu.memory_space<hbm>> -> memref<1x640x128xf32, #tpu.memory_space<hbm>>
      %dma_wait3A_48 = tpu.memref_squeeze %dma_wait3A_47 : memref<1x640x128xf32, #tpu.memory_space<hbm>> -> memref<640x128xf32, #tpu.memory_space<hbm>>
      %dma_wait3A_49 = arith.constant 0 : i32
      %dma_wait3A_50 = tpu.memref_slice %arg11[%mul3A_2, %dma_wait3A_49] : memref<10240x128xf32, #tpu.memory_space<vmem_shared>> -> memref<640x128xf32, #tpu.memory_space<vmem_shared>>
      tpu.wait_dma2 semaphore(%run_scoped3A : memref<!tpu.dma_semaphore, #tpu.memory_space<semaphore_mem>>) src(%dma_wait3A_50 : memref<640x128xf32, #tpu.memory_space<vmem_shared>>) dst(%dma_wait3A_48 : memref<640x128xf32, #tpu.memory_space<hbm>>)
      tpu.yield
    }) : () -> ()
    return
  }
}

module attributes {stable_mosaic.version = 14 : i64} {
  func.func @_norms_body(%arg0: memref<32x80x128xf32, #tpu.memory_space<vmem>>, %arg1: memref<32x80x128xf32, #tpu.memory_space<vmem>>, %arg2: memref<80x128xf32, #tpu.memory_space<vmem>>, %arg3: memref<80x128xf32, #tpu.memory_space<vmem>>) attributes {dimension_semantics = [], scalar_prefetch = 0 : i64, scratch_operands = 0 : i64, tpu.core_type = #tpu.core_type<tc>} {
    %get3A = arith.constant 0 : index
    %get3A_0 = arith.constant 0 : index
    %get3A_1 = arith.constant 0 : index
    %get3A_2 = vector.load %arg0[%get3A, %get3A_0, %get3A_1] : memref<32x80x128xf32, #tpu.memory_space<vmem>>, vector<32x80x128xf32>
    %reduce_sum3A = arith.constant dense<0.000000e+00> : vector<80x128xf32>
    %reduce_sum3A_3 = vector.multi_reduction <add>, %get3A_2, %reduce_sum3A [0] : vector<32x80x128xf32> to vector<80x128xf32>
    %gt3A = arith.constant 0.000000e+00 : f32
    %gt3A_4 = vector.broadcast %gt3A : f32 to vector<80x128xf32>
    %gt3A_5 = arith.cmpf ogt, %reduce_sum3A_3, %gt3A_4 : vector<80x128xf32>
    %max3A = arith.constant 1.000000e+00 : f32
    %max3A_6 = vector.broadcast %max3A : f32 to vector<80x128xf32>
    %max3A_7 = arith.maximumf %reduce_sum3A_3, %max3A_6 : vector<80x128xf32>
    %rsqrt3A = math.rsqrt %max3A_7 : vector<80x128xf32>
    %jit3A = arith.constant 0.000000e+00 : f32
    %broadcast_in_dim3A = vector.broadcast %jit3A : f32 to vector<80x128xf32>
    %select_n3A = arith.select %gt3A_5, %rsqrt3A, %broadcast_in_dim3A : vector<80x128xi1>, vector<80x128xf32>
    %swap3A = arith.constant 0 : index
    %swap3A_8 = arith.constant 0 : index
    %swap3A_9 = vector.load %arg2[%swap3A, %swap3A_8] : memref<80x128xf32, #tpu.memory_space<vmem>>, vector<80x128xf32>
    tpu.vector_store %arg2[%swap3A, %swap3A_8], %select_n3A {strides = array<i32>} : memref<80x128xf32, #tpu.memory_space<vmem>>, vector<80x128xf32>,
    %get3A_10 = arith.constant 0 : index
    %get3A_11 = arith.constant 0 : index
    %get3A_12 = arith.constant 0 : index
    %get3A_13 = vector.load %arg1[%get3A_10, %get3A_11, %get3A_12] : memref<32x80x128xf32, #tpu.memory_space<vmem>>, vector<32x80x128xf32>
    %reduce_sum3A_14 = arith.constant dense<0.000000e+00> : vector<80x128xf32>
    %reduce_sum3A_15 = vector.multi_reduction <add>, %get3A_13, %reduce_sum3A_14 [0] : vector<32x80x128xf32> to vector<80x128xf32>
    %gt3A_16 = arith.constant 0.000000e+00 : f32
    %gt3A_17 = vector.broadcast %gt3A_16 : f32 to vector<80x128xf32>
    %gt3A_18 = arith.cmpf ogt, %reduce_sum3A_15, %gt3A_17 : vector<80x128xf32>
    %max3A_19 = arith.constant 1.000000e+00 : f32
    %max3A_20 = vector.broadcast %max3A_19 : f32 to vector<80x128xf32>
    %max3A_21 = arith.maximumf %reduce_sum3A_15, %max3A_20 : vector<80x128xf32>
    %rsqrt3A_22 = math.rsqrt %max3A_21 : vector<80x128xf32>
    %jit3A_23 = arith.constant 0.000000e+00 : f32
    %broadcast_in_dim3A_24 = vector.broadcast %jit3A_23 : f32 to vector<80x128xf32>
    %select_n3A_25 = arith.select %gt3A_18, %rsqrt3A_22, %broadcast_in_dim3A_24 : vector<80x128xi1>, vector<80x128xf32>
    %swap3A_26 = arith.constant 0 : index
    %swap3A_27 = arith.constant 0 : index
    %swap3A_28 = vector.load %arg3[%swap3A_26, %swap3A_27] : memref<80x128xf32, #tpu.memory_space<vmem>>, vector<80x128xf32>
    tpu.vector_store %arg3[%swap3A_26, %swap3A_27], %select_n3A_25 {strides = array<i32>} : memref<80x128xf32, #tpu.memory_space<vmem>>, vector<80x128xf32>,
    return
  }
}

module attributes {stable_mosaic.version = 14 : i64} {
  func.func @_h_body(%arg0: memref<10000x1xf32, #tpu.memory_space<vmem>>, %arg1: memref<10000x128xf32, #tpu.memory_space<vmem>>, %arg2: memref<10000x128xf32, #tpu.memory_space<vmem>>) attributes {dimension_semantics = [], scalar_prefetch = 0 : i64, scratch_operands = 0 : i64, tpu.core_type = #tpu.core_type<tc>} {
    %get3A = arith.constant 0 : index
    %get3A_0 = arith.constant 0 : index
    %get3A_1 = vector.load %arg1[%get3A, %get3A_0] : memref<10000x128xf32, #tpu.memory_space<vmem>>, vector<10000x128xf32>
    %get3A_2 = arith.constant 0 : index
    %get3A_3 = arith.constant 0 : index
    %get3A_4 = vector.load %arg0[%get3A_2, %get3A_3] : memref<10000x1xf32, #tpu.memory_space<vmem>>, vector<10000x1xf32>
    %mul3A = vector.broadcast %get3A_4 : vector<10000x1xf32> to vector<10000x128xf32>
    %mul3A_5 = arith.mulf %get3A_1, %mul3A : vector<10000x128xf32>
    %swap3A = arith.constant 0 : index
    %swap3A_6 = arith.constant 0 : index
    %swap3A_7 = vector.load %arg2[%swap3A, %swap3A_6] : memref<10000x128xf32, #tpu.memory_space<vmem>>, vector<10000x128xf32>
    tpu.vector_store %arg2[%swap3A, %swap3A_6], %mul3A_5 {strides = array<i32>} : memref<10000x128xf32, #tpu.memory_space<vmem>>, vector<10000x128xf32>,
    return
  }
}

module attributes {stable_mosaic.version = 14 : i64} {
  func.func @_out_body(%arg0: memref<2x10240x128xf32, #tpu.memory_space<vmem>>, %arg1: memref<10000x1xf32, #tpu.memory_space<vmem>>, %arg2: memref<10000x128xf32, #tpu.memory_space<vmem>>, %arg3: memref<128x128xf32, #tpu.memory_space<vmem>>, %arg4: memref<128xf32, #tpu.memory_space<vmem>>, %arg5: memref<128x128xf32, #tpu.memory_space<vmem>>, %arg6: memref<128xf32, #tpu.memory_space<vmem>>, %arg7: memref<128xf32, #tpu.memory_space<vmem>>, %arg8: memref<128xf32, #tpu.memory_space<vmem>>, %arg9: memref<10000x128xf32, #tpu.memory_space<vmem>>) attributes {dimension_semantics = [], scalar_prefetch = 0 : i64, scratch_operands = 0 : i64, tpu.core_type = #tpu.core_type<tc>} {
    %get3A = arith.constant 0 : index
    %get3A_0 = arith.constant 0 : index
    %get3A_1 = arith.constant 0 : index
    %get3A_2 = vector.load %arg0[%get3A, %get3A_0, %get3A_1] : memref<2x10240x128xf32, #tpu.memory_space<vmem>>, vector<1x10000x128xf32>
    %get3A_3 = vector.shape_cast %get3A_2 : vector<1x10000x128xf32> to vector<10000x128xf32>
    %get3A_4 = arith.constant 1 : index
    %get3A_5 = arith.constant 0 : index
    %get3A_6 = arith.constant 0 : index
    %get3A_7 = vector.load %arg0[%get3A_4, %get3A_5, %get3A_6] : memref<2x10240x128xf32, #tpu.memory_space<vmem>>, vector<1x10000x128xf32>
    %get3A_8 = vector.shape_cast %get3A_7 : vector<1x10000x128xf32> to vector<10000x128xf32>
    %add3A = arith.addf %get3A_3, %get3A_8 : vector<10000x128xf32>
    %get3A_9 = arith.constant 0 : index
    %get3A_10 = arith.constant 0 : index
    %get3A_11 = vector.load %arg1[%get3A_9, %get3A_10] : memref<10000x1xf32, #tpu.memory_space<vmem>>, vector<10000x1xf32>
    %mul3A = vector.broadcast %get3A_11 : vector<10000x1xf32> to vector<10000x128xf32>
    %mul3A_12 = arith.mulf %add3A, %mul3A : vector<10000x128xf32>
    %get3A_13 = arith.constant 0 : index
    %get3A_14 = arith.constant 0 : index
    %get3A_15 = vector.load %arg3[%get3A_13, %get3A_14] : memref<128x128xf32, #tpu.memory_space<vmem>>, vector<128x128xf32>
    %dot_general3A = arith.constant dense<0.000000e+00> : vector<10000x128xf32>
    %dot_general3A_16 = tpu.matmul %mul3A_12, %get3A_15, %dot_general3A {dimension_numbers = #tpu.dot_dimension_numbers<[1], [0], [0], [1], [0, 0, 1, 1], [], []>, transpose_lhs_hint = false} : vector<10000x128xf32>, vector<128x128xf32>, vector<10000x128xf32> -> vector<10000x128xf32>
    %get3A_17 = arith.constant 0 : index
    %get3A_18 = vector.load %arg4[%get3A_17] : memref<128xf32, #tpu.memory_space<vmem>>, vector<128xf32>
    %broadcast_in_dim3A = vector.shape_cast %get3A_18 : vector<128xf32> to vector<1x128xf32>
    %add3A_19 = vector.broadcast %broadcast_in_dim3A : vector<1x128xf32> to vector<10000x128xf32>
    %add3A_20 = arith.addf %dot_general3A_16, %add3A_19 : vector<10000x128xf32>
    %max3A = arith.constant 0.000000e+00 : f32
    %max3A_21 = vector.broadcast %max3A : f32 to vector<10000x128xf32>
    %max3A_22 = arith.maximumf %add3A_20, %max3A_21 : vector<10000x128xf32>
    %get3A_23 = arith.constant 0 : index
    %get3A_24 = arith.constant 0 : index
    %get3A_25 = vector.load %arg2[%get3A_23, %get3A_24] : memref<10000x128xf32, #tpu.memory_space<vmem>>, vector<10000x128xf32>
    %get3A_26 = arith.constant 0 : index
    %get3A_27 = arith.constant 0 : index
    %get3A_28 = vector.load %arg5[%get3A_26, %get3A_27] : memref<128x128xf32, #tpu.memory_space<vmem>>, vector<128x128xf32>
    %dot_general3A_29 = arith.constant dense<0.000000e+00> : vector<10000x128xf32>
    %dot_general3A_30 = tpu.matmul %get3A_25, %get3A_28, %dot_general3A_29 {dimension_numbers = #tpu.dot_dimension_numbers<[1], [0], [0], [1], [0, 0, 1, 1], [], []>, transpose_lhs_hint = false} : vector<10000x128xf32>, vector<128x128xf32>, vector<10000x128xf32> -> vector<10000x128xf32>
    %get3A_31 = arith.constant 0 : index
    %get3A_32 = vector.load %arg6[%get3A_31] : memref<128xf32, #tpu.memory_space<vmem>>, vector<128xf32>
    %broadcast_in_dim3A_33 = vector.shape_cast %get3A_32 : vector<128xf32> to vector<1x128xf32>
    %add3A_34 = vector.broadcast %broadcast_in_dim3A_33 : vector<1x128xf32> to vector<10000x128xf32>
    %add3A_35 = arith.addf %dot_general3A_30, %add3A_34 : vector<10000x128xf32>
    %max3A_36 = arith.constant 0.000000e+00 : f32
    %max3A_37 = vector.broadcast %max3A_36 : f32 to vector<10000x128xf32>
    %max3A_38 = arith.maximumf %add3A_35, %max3A_37 : vector<10000x128xf32>
    %add3A_39 = arith.addf %max3A_22, %max3A_38 : vector<10000x128xf32>
    %reduce_sum3A = arith.constant dense<0.000000e+00> : vector<128xf32>
    %reduce_sum3A_40 = vector.multi_reduction <add>, %add3A_39, %reduce_sum3A [0] : vector<10000x128xf32> to vector<128xf32>
    %broadcast_in_dim3A_41 = vector.shape_cast %reduce_sum3A_40 : vector<128xf32> to vector<1x128xf32>
    %div3A = arith.constant 1.000000e+04 : f32
    %div3A_42 = vector.broadcast %div3A : f32 to vector<1x128xf32>
    %div3A_43 = arith.divf %broadcast_in_dim3A_41, %div3A_42 : vector<1x128xf32>
    %sub3A = vector.broadcast %div3A_43 : vector<1x128xf32> to vector<10000x128xf32>
    %sub3A_44 = arith.subf %add3A_39, %sub3A : vector<10000x128xf32>
    %mul3A_45 = arith.mulf %sub3A_44, %sub3A_44 : vector<10000x128xf32>
    %reduce_sum3A_46 = arith.constant dense<0.000000e+00> : vector<128xf32>
    %reduce_sum3A_47 = vector.multi_reduction <add>, %mul3A_45, %reduce_sum3A_46 [0] : vector<10000x128xf32> to vector<128xf32>
    %broadcast_in_dim3A_48 = vector.shape_cast %reduce_sum3A_47 : vector<128xf32> to vector<1x128xf32>
    %div3A_49 = arith.constant 1.000000e+04 : f32
    %div3A_50 = vector.broadcast %div3A_49 : f32 to vector<1x128xf32>
    %div3A_51 = arith.divf %broadcast_in_dim3A_48, %div3A_50 : vector<1x128xf32>
    %add3A_52 = arith.constant 9.99999974E-6 : f32
    %add3A_53 = vector.broadcast %add3A_52 : f32 to vector<1x128xf32>
    %add3A_54 = arith.addf %div3A_51, %add3A_53 : vector<1x128xf32>
    %rsqrt3A = math.rsqrt %add3A_54 : vector<1x128xf32>
    %mul3A_55 = vector.broadcast %rsqrt3A : vector<1x128xf32> to vector<10000x128xf32>
    %mul3A_56 = arith.mulf %sub3A_44, %mul3A_55 : vector<10000x128xf32>
    %get3A_57 = arith.constant 0 : index
    %get3A_58 = vector.load %arg7[%get3A_57] : memref<128xf32, #tpu.memory_space<vmem>>, vector<128xf32>
    %broadcast_in_dim3A_59 = vector.shape_cast %get3A_58 : vector<128xf32> to vector<1x128xf32>
    %mul3A_60 = vector.broadcast %broadcast_in_dim3A_59 : vector<1x128xf32> to vector<10000x128xf32>
    %mul3A_61 = arith.mulf %mul3A_56, %mul3A_60 : vector<10000x128xf32>
    %get3A_62 = arith.constant 0 : index
    %get3A_63 = vector.load %arg8[%get3A_62] : memref<128xf32, #tpu.memory_space<vmem>>, vector<128xf32>
    %broadcast_in_dim3A_64 = vector.shape_cast %get3A_63 : vector<128xf32> to vector<1x128xf32>
    %add3A_65 = vector.broadcast %broadcast_in_dim3A_64 : vector<1x128xf32> to vector<10000x128xf32>
    %add3A_66 = arith.addf %mul3A_61, %add3A_65 : vector<10000x128xf32>
    %swap3A = arith.constant 0 : index
    %swap3A_67 = arith.constant 0 : index
    %swap3A_68 = vector.load %arg9[%swap3A, %swap3A_67] : memref<10000x128xf32, #tpu.memory_space<vmem>>, vector<10000x128xf32>
    tpu.vector_store %arg9[%swap3A, %swap3A_67], %add3A_66 {strides = array<i32>} : memref<10000x128xf32, #tpu.memory_space<vmem>>, vector<10000x128xf32>,
    return
  }
}

</mosaic_0001>

<sc_bundles>
// kernel: kernel.10.cloned.1.call-start
scs
__scs_entry_jumppad:
0x0: {  	(pc) =	sbr.rel $0x88, $3  }
0x1: {  	(tag) =	ssettag $0x0;
	lr =	simm.s32 $0x1  }
0x2: {  	[smem:$0x3F99] =	sst lr;
	_ =	strace $0xD0000000  }
0x3: {  	_ = 	snop  }
0x4: {  	_ = 	snop  }
0x5: {  	_ = 	snop  }
0x6: {  	_ = 	snop  }
0x7: {  	_ = 	snop  }
__scs_overlays_trampoline_lowered:
0x8: {  	[smem:$0x3FA8] =	sst s0  }
0x9: {  	[smem:$0x3FA9] =	sst s1  }
0xa: {  	[smem:$0x3FAA] =	sst s2  }
0xb: {  	[smem:$0x3FAB] =	sst s3  }
0xc: {  	[smem:$0x3FAC] =	sst s4  }
0xd: {  	[smem:$0x3FAD] =	sst s5  }
0xe: {  	[smem:$0x3FAE] =	sst s6  }
0xf: {  	[smem:$0x3FAF] =	sst s7  }
0x10: {  	[smem:$0x3FB0] =	sst s8  }
0x11: {  	[smem:$0x3FB1] =	sst s9;
	s0 =	simm.s32 @!p0 $0x0  }
0x12: {  	s1 =	sld [smem:$0x3F97];
	s0 =	simm.s32 @p0 $0x1  }
0x13: {  	[smem:$0x3FB2] =	sst s0;
	s0 =	simm.s32 @!p1 $0x0  }
0x14: {  	s2 =	sld [smem:$0x3F96];
	s0 =	simm.s32 @p1 $0x1  }
0x15: {  	[smem:$0x3FB3] =	sst s0;
	s0 =	simm.s32 @!p2 $0x0  }
0x16: {  	s3 =	sld [smem:$0x3FDB];
	s0 =	simm.s32 @p2 $0x1  }
0x17: {  	s4 =	simm.s32 $0x1BF5;
	[smem:$0x3FB5] =	sst s0  }
0x18: {  	s0 =	sld [smem:$0x3F98];
	_ =	swait.ge [sflag:s4], $0x0  }
0x19: {  	s7 =	sld [smem:$0x3F99]  }
0x1a: {  	s8 =	sadd.s32 $0xFFFFE003, lr  }
0x1b: {  	s9 =	sadd.s32 $0xFFFFFEF7, lr;
	s5 =	simm.s32 $0xFFFFFFFF;
	p2 =	slt.u32 s8, $0xFFFFF086  }
0x1c: {  	p1 =	slt.u32 s9, $0xF7A;
	s5 =	simm.s32 @!p2 $0x0  }
0x1d: {  	s5 =	simm.s32 @p1 $0x1;
	p0 =	seq.s32 s7, s2  }
0x1e: {  	s7 =	smul.u32 @!p0 $0xF7A, s2;
	p2 =	seq.s32 @!p0 s5, $0x0  }
0x1f: {  	s9 =	smul.u32 $0xF7A, s1;
	s8 =	simm.s32 @!p0 $0x1BF5;
	p2 =	por !p2, p0  }
0x20: {  	[sflag:s8] =	ssyncset.s32 @!p0 $0xFFFFF086;
	s6 =	sadd.s32 @!p0 s3, s7;
	s7 =	simm.s32 @!p0 $0x108  }
0x21: {  	s3 =	sadd.s32 s3, s9;
	s6 =	sadd.s32 @!p0 $0x88, s6;
	s7 =	simm.s32 @p2 $0x1082  }
0x22: {  	[simem:s7], [sflag:s8] =	dma.local @!p0 [hbm:s6], $0xF7A  }
0x23: {  	s9 =	sor.u32 $0xD0000000, s2;
	s6 =	simm.s32 $0x108;
	_ =	swait.ge @!p0 [sflag:s8], $0x0  }
0x24: {  	s3 =	sadd.s32 $0x88, s3;
	s6 =	simm.s32 @!p1 $0x1082;
	[sflag:s4] =	ssyncset.s32 $0xFFFFF086  }
0x25: {  	[simem:s6], [sflag:s4] =	dma.local [hbm:s3], $0xF7A  }
0x26: {  	[smem:$0x3F99] =	sst s1;
	(tag) =	ssettag s2;
	_ =	strace s9  }
0x27: {  	s1 =	sld [smem:$0x3FA9]  }
0x28: {  	s2 =	sld [smem:$0x3FAA]  }
0x29: {  	s4 =	sld [smem:$0x3FAC]  }
0x2a: {  	p0 =	seq.s32 s5, $0x0;
	s5 =	sld [smem:$0x3FAD]  }
0x2b: {  	s6 =	sld [smem:$0x3FAE]  }
0x2c: {  	s7 =	sld [smem:$0x3FAF]  }
0x2d: {  	s3 =	simm.s32 $0x108;
	s8 =	sld [smem:$0x3FB0]  }
0x2e: {  	s3 =	simm.s32 @!p0 $0x1082;
	s9 =	sld [smem:$0x3FB1]  }
0x2f: {  	lr =	sadd.s32 s0, s3;
	s0 =	sld [smem:$0x3FA8]  }
0x30: {  	s3 =	sld [smem:$0x3FAB]  }
0x31: {  	[smem:$0x3FB4] =	sst s10  }
0x32: {  	s10 =	sld [smem:$0x3FB2];
	_ =	sdelay $0x3  }
0x33: {  	p0 =	seq.s32 s10, $0x1;
	s10 =	sld [smem:$0x3FB4];
	_ =	sdelay $0x3  }
0x34: {  	[smem:$0x3FB4] =	sst s10  }
0x35: {  	s10 =	sld [smem:$0x3FB3];
	_ =	sdelay $0x3  }
0x36: {  	p1 =	seq.s32 s10, $0x1;
	s10 =	sld [smem:$0x3FB4];
	_ =	sdelay $0x3  }
0x37: {  	[smem:$0x3FB4] =	sst s10  }
0x38: {  	s10 =	sld [smem:$0x3FB5]  }
0x39: {  	_ = 	snop;
	(pc) =	sbr.ind lr, $3  }
0x3a: {  	_ = 	snop  }
0x3b: {  	_ = 	snop  }
0x3c: {  	p2 =	seq.s32 s10, $0x1;
	s10 =	sld [smem:$0x3FB4]  }
0x3d: {  	_ =	shalt  }
0x3e: {  	_ =	shalt  }
0x3f: {  	_ =	shalt  }
0x40: {  	_ =	shalt  }
0x41: {  	_ =	shalt  }
0x42: {  	_ =	shalt  }
0x43: {  	_ =	shalt  }
0x44: {  	_ =	shalt  }
0x45: {  	_ =	shalt  }
0x46: {  	_ =	shalt  }
0x47: {  	_ =	shalt  }
0x48: {  	_ =	shalt  }
0x49: {  	_ =	shalt  }
0x4a: {  	_ =	shalt  }
0x4b: {  	_ =	shalt  }
0x4c: {  	_ =	shalt  }
0x4d: {  	_ =	shalt  }
0x4e: {  	_ =	shalt  }
0x4f: {  	_ =	shalt  }
0x50: {  	_ =	shalt  }
0x51: {  	_ =	shalt  }
0x52: {  	_ =	shalt  }
0x53: {  	_ =	shalt  }
0x54: {  	_ =	shalt  }
0x55: {  	_ =	shalt  }
0x56: {  	_ =	shalt  }
0x57: {  	_ =	shalt  }
0x58: {  	_ =	shalt  }
0x59: {  	_ =	shalt  }
0x5a: {  	_ =	shalt  }
0x5b: {  	_ =	shalt  }
0x5c: {  	_ =	shalt  }
0x5d: {  	_ =	shalt  }
0x5e: {  	_ =	shalt  }
0x5f: {  	_ =	shalt  }
0x60: {  	_ =	shalt  }
0x61: {  	_ =	shalt  }
0x62: {  	_ =	shalt  }
0x63: {  	_ =	shalt  }
0x64: {  	_ =	shalt  }
0x65: {  	_ =	shalt  }
0x66: {  	_ =	shalt  }
0x67: {  	_ =	shalt  }
0x68: {  	_ =	shalt  }
0x69: {  	_ =	shalt  }
0x6a: {  	_ =	shalt  }
0x6b: {  	_ =	shalt  }
0x6c: {  	_ =	shalt  }
0x6d: {  	_ =	shalt  }
0x6e: {  	_ =	shalt  }
0x6f: {  	_ =	shalt  }
0x70: {  	_ =	shalt  }
0x71: {  	_ =	shalt  }
0x72: {  	_ =	shalt  }
0x73: {  	_ =	shalt  }
0x74: {  	_ =	shalt  }
0x75: {  	_ =	shalt  }
0x76: {  	_ =	shalt  }
0x77: {  	_ =	shalt  }
0x78: {  	_ =	shalt  }
0x79: {  	_ =	shalt  }
0x7a: {  	_ =	shalt  }
0x7b: {  	_ =	shalt  }
0x7c: {  	_ =	shalt  }
0x7d: {  	_ =	shalt  }
0x7e: {  	_ =	shalt  }
0x7f: {  	_ =	shalt  }
0x80: {  	_ =	shalt  }
0x81: {  	_ =	shalt  }
0x82: {  	_ =	shalt  }
0x83: {  	_ =	shalt  }
0x84: {  	_ =	shalt  }
0x85: {  	_ =	shalt  }
0x86: {  	_ =	shalt  }
0x87: {  	_ =	shalt  }
.Lfunc_end0:
.L_simem_size_0:
called_computation.1_lowered:
.L_overlay_start_0:
0x88: {  	s2 =	sld [smem:$0x3FD9]  }
0x89: {  	s3 =	sld [smem:$0x3FFE];
	_ =	sdelay $0x1  }
0x8a: {  	s1 =	srdreg.scid  }
0x8b: {  	s0 =	sand.u32 $0x1, s1  }
0x8c: {  	s17 =	sshll.u32 s0, $0xA;
	s2 =	sadd.s32 s3, s2  }
0x8d: {  	s2 =	sadd.s32 s2, s17  }
0x8e: {  	[smem:$0x3FC0] =	sst s2  }
0x8f: {  	_ = 	snop  }
0x90: {  	s2 =	sld [smem:$0x3FD0];
	(tm) =	ssettm $0x1  }
0x91: {  	s18 =	sld [smem:$0x3FFB];
	_ =	sdelay $0x3  }
0x92: {  	_ =	strace s18  }
0x93: {  	s3 =	sld [smem:$0x3FFC];
	_ =	sdelay $0x3  }
0x94: {  	_ =	strace s3  }
0x95: {  	s3 =	sld [smem:$0x3FFD];
	_ =	sdelay $0x3  }
0x96: {  	_ =	strace s3  }
0x97: {  	_ =	strace $0x8FFFFFFF  }
0x98: {  	s19 =	sld [smem:$0x3FDB];
	_ =	sdelay $0x1  }
0x99: {  	s4 =	simm.s32 $_scs_section_size  }
0x9a: {  	s5 =	simm.s32 $_size__tile_overlayer_lowered;
	s6 =	simm.s32 $_tile_overlayer_lowered  }
0x9b: {  	s22 =	simm.s32 $0x1BFF;
	s21 =	sshll.u32 s6, $0x1;
	s3 =	sadd.s32 s4, s19  }
0x9c: {  	s7 =	simm.s32 $0x0;
	s20 =	sshll.u32 s5, $0x1;
	s5 =	sadd.s32 s21, s3  }
0x9d: {  	[timem:s7], [sflag:s22] =	dma.local [hbm:s5], s20  }
0x9e: {  	_ =	swait.ge [sflag:s22], s20  }
0x9f: {  	s4 =	ssub.s32 $0x0, s20;
	[sflag:s22] =	ssyncset.done $0x0  }
0xa0: {  	[sflag:s22] =	ssyncadd.s32 s4;
	_ =	sdelay $0x1  }
0xa1: {  	s23 =	simm.s32 $0x1B8B  }
0xa2: {  	_ =	swait.ge [sflag:s23], $0x1  }
0xa3: {  	[sflag:s23] =	ssyncset.done $0x0  }
0xa4: {  	s25 =	simm.s32 $0x1B8E;
	s24 =	sld [smem:$0x3FFE];
	[sflag:s23] =	ssyncadd.s32 $0xFFFFFFFF  }
0xa5: {  	s26 =	simm.s32 $execute0_lowered;
	[smem:$0x3FD2] =	sst s25  }
0xa6: {  	s5 =	sshll.u32 s26, $0x1;
	_ =	strace $0x80000049;
	[dreg:$0x1] =	wrdreg $0xFFFFFFFF  }
0xa7: {  	s28 =	simm.s32 $_size_execute0_lowered;
	s3 =	sadd.s32 s3, s5;
	[dreg:$0x0] =	wrdreg $0x0  }
0xa8: {  	s5 =	sshll.u32 s28, $0x1;
	[dreg:$0x2] =	wrdreg s3  }
0xa9: {  	[dreg:$0x3] =	wrdreg s5  }
0xaa: {  	[dreg:$0x4] =	wrdreg $0xC0  }
0xab: {  	_ =	task [dreg:s7], $0x5FFFF  }
0xac: {  	[dreg:$0x1] =	wrdreg $0xFFFFFFFF  }
0xad: {  	[dreg:$0x0] =	wrdreg $0x60  }
0xae: {  	[dreg:$0x2] =	wrdreg s2  }
0xaf: {  	[dreg:$0x3] =	wrdreg s24  }
0xb0: {  	[dreg:$0x4] =	wrdreg $0xA8000  }
0xb1: {  	[dreg:$0x5] =	wrdreg $0x9  }
0xb2: {  	_ =	task.clear_ibuf [dreg:s7], $0x6FFFF;
	_ =	strace $0x90000049  }
0xb3: {  	s29 =	simm.s32 $0x9;
	_ =	strace $0x8000004B  }
0xb4: {  	_ =	swait.ge [sflag:s29], $0x1  }
0xb5: {  	[sflag:s29] =	ssyncadd.s32 $0xFFFFFFFF  }
0xb6: {  	_ =	strace $0x9000004B  }
0xb7: {  	_ =	sfence  }
0xb8: {  	s30 =	sld [smem:$0x0];
	_ =	sdelay $0x2  }
0xb9: {  	s31 =	sshll.u32 s1, $0xD;
	s1 =	sshrl.u32 s1, $0x2  }
0xba: {  	s3 =	sand.u32 $0x4000, s31;
	s1 =	sadd.s32 s1, s30  }
0xbb: {  	s0 =	sor.u32 s3, s0;
	s1 =	sshll.u32 s1, $0x11  }
0xbc: {  	s0 =	sor.u32 s1, s0  }
0xbd: {  	s0 =	sadd.s32 $0x8F2B, s0  }
0xbe: {  	[sflag:s0] =	ssyncadd.remote.s32 $0x1  }
0xbf: {  	_ =	sfence.sel $0xFFFF  }
0xc0: {  	[dreg:$0x0] =	wrdreg $0xFFFFFFFF;
	(pc) =	sbr.abs _section_cstart, $3  }
0xc1: {  	[dreg:$0x1] =	wrdreg $0xFFFFFFFF  }
0xc2: {  	_ =	task.clear_ibuf [dreg:s7], $0x2FFFF;
	_ =	strace $0x9FFFFFFF  }
0xc3: {  	(tm) =	ssettm $0x7FFFFFFF  }
tec
execute0_lowered:
.L_overlay_start_1:
0x0: {  	(tag) =	ssettag $0x1  }
0x1: {  	s1 =	rddreg [dreg:$0x0]  }
0x2: {  	s6 =	rddreg [dreg:$0x1]  }
0x3: {  	s2 =	rddreg [dreg:$0x2]  }
0x4: {  	s3 =	srdreg.scid;
	s0 =	rddreg [dreg:$0x3]  }
0x5: {  	s4 =	simm.s32 $0x0;
	s15 =	simm.s32 $0x1400;
	s16 =	simm.s32 $0x7D  }
0x6: {  	s17 =	simm.s32 $0x2800;
	s18 =	simm.s32 $0x1;
	s19 =	simm.s32 $0x80  }
0x7: {  	s20 =	simm.s32 $0x6800;
	s21 =	simm.s32 $0x2;
	s22 =	simm.s32 $0x100  }
0x8: {  	s23 =	simm.s32 $0x1480;
	s5 =	sand.u32 $0x1, s3;
	s3 =	stileid.u32  }
0x9: {  	[smem:$0x7FF] =	sst s4;
	s9 =	sadd.s32 $0x20800, s6;
	s7 =	smul.u32 $0x140000, s5  }
0xa: {  	s10 =	sadd.s32 $0x2A800, s6;
	s8 =	smul.u32 $0x14000, s3;
	_ =	strace $0x8000004A  }
0xb: {  	s24 =	sshll.u32 s3, $0x1;
	s11 =	ssub.s32 $0x2, s5;
	s25 =	smul.u32 $0x50000, s3  }
0xc: {  	s28 =	sshll.u32 s3, $0x6;
	s5 =	sor.u32 s5, s24;
	s12 =	sshrl.u32 s11, $0x1  }
0xd: {  	s24 =	simm.s32 $0x0;
	s7 =	sadd.s32 s8, s7;
	s13 =	smul.u32 $0x2800, s5  }
0xe: {  	s5 =	sadd.s32 $0x2200, s6;
	s12 =	ssub.s32 s11, s12;
	s26 =	sshrl.u32 s25, $0x2  }
.Ltmp0:
0xf: {  	s7 =	sshrl.u32 s7, $0x3;
	s30 =	sadd.s32 s26, s2;
	(pc) =	sbr.rel .LBB2_1-.Ltmp0, $4  }
0x10: {  	s12 =	smax.u32 s12, $0x1;
	s14 =	sadd.s32 s7, s6;
	s29 =	sshrl.u32 s13, $0x3  }
0x11: {  	s6 =	sor.u32 $0x1C03, s28;
	s13 =	sshrl.u32 s30, $0x3;
	s31 =	sadd.s32 $0x280, s29  }
0x12: {  	s7 =	sadd.s32 s9, s29;
	s8 =	sadd.s32 s10, s29;
	s11 =	sadd.s32 $0x34800, s14  }
0x13: {  	s14 =	simm.s32 $0x3;
	s9 =	sadd.s32 s9, s31;
	s10 =	sadd.s32 s10, s31  }
.LBB2_7:
0x14: {  	[spmem:s2] =	stream.indirect.scatter.add.f32 [tilespmem:s20], [sflag:$0x2], $0x80, s28, s16, $0xb8;
	[tilespmem:$0x1E800] =	vst v63  }
0x15: {  	_ =	swait.ge [sflag:s21], $0x3E80  }
0x16: {  	s24 =	sadd.s32 $0x1, s24;
	[sflag:s21] =	ssyncset.done $0x0  }
0x17: {  	p0 =	sne.s32 s24, s12;
	[sflag:s21] =	ssyncadd.s32 $0xFFFFC180  }
.Ltmp1:
0x18: {  	[bflag:$0x0] =	sbarrier.arrive $0xFFFF;
	(pc) =	sbr.rel @!p0 .LBB2_8-.Ltmp1, $4  }
0x19: {  	[hbm:s11], [sflag:s6] =	dma.local [spmem:s13], $0x2800  }
0x1a: {  	_ =	swait.ge [sflag:s14], $0x2800  }
0x1b: {  	[sflag:s14] =	ssyncset.done $0x0  }
0x1c: {  	[sflag:s14] =	ssyncadd.s32 $0xFFFFD800  }
.LBB2_1:
0x1d: {  	[spmem:s13], [sflag:s6] =	dma.local [hbm:s5], $0x2800  }
0x1e: {  	_ =	swait.ge [sflag:s14], $0x2800  }
0x1f: {  	[sflag:s14] =	ssyncset.done $0x0  }
0x20: {  	[sflag:s14] =	ssyncadd.s32 $0xFFFFD800  }
0x21: {  	[bflag:$0x0] =	sbarrier.arrive $0xFFFF  }
0x22: {  	[tilespmem:s4], [sflag:$0x3] =	stream.linear.gather [hbm4b:s7+s4], $0x1400, $0x38;
	[tilespmem:$0x1E800] =	vst v63  }
0x23: {  	_ =	swait.ge [sflag:s14], $0x1400  }
0x24: {  	[sflag:s14] =	ssyncset.done $0x0  }
0x25: {  	[sflag:s14] =	ssyncadd.s32 $0xFFFFEC00  }
0x26: {  	[tilespmem:s15], [sflag:$0x3] =	stream.linear.gather [hbm4b:s8+s4], $0x1400, $0x38;
	[tilespmem:$0x1E800] =	vst v63  }
0x27: {  	_ =	swait.ge [sflag:s14], $0x1400  }
0x28: {  	[sflag:s14] =	ssyncset.done $0x0  }
0x29: {  	[sflag:s14] =	ssyncadd.s32 $0xFFFFEC00  }
0x2a: {  	[tilespmem:s17], [sflag:$0x1] =	stream.indirect.gather [hbm4b:s1+s16], $0x80, s4, s16, $0xb8;
	[tilespmem:$0x1E800] =	vst v63  }
0x2b: {  	_ =	swait.ge [sflag:s18], $0x3E80  }
0x2c: {  	[sflag:s18] =	ssyncset.done $0x0  }
0x2d: {  	[sflag:s18] =	ssyncadd.s32 $0xFFFFC180  }
0x2e: {  	[tilespmem:s20], [sflag:$0x1] =	stream.indirect.gather [hbm4b:s1+s16], $0x80, s19, s16, $0xb8;
	[tilespmem:$0x1E800] =	vst v63  }
0x2f: {  	_ = 	snop  }
0x30: {  	[spmem:s2] =	stream.indirect.scatter.add.f32 [tilespmem:s17], [sflag:$0x2], $0x80, s15, s16, $0xb8;
	[tilespmem:$0x1E800] =	vst v63  }
0x31: {  	_ =	swait.ge [sflag:s18], $0x3E80  }
0x32: {  	[sflag:s18] =	ssyncset.done $0x0  }
0x33: {  	[sflag:s18] =	ssyncadd.s32 $0xFFFFC180  }
0x34: {  	_ =	swait.ge [sflag:s21], $0x3E80  }
0x35: {  	[sflag:s21] =	ssyncset.done $0x0  }
0x36: {  	[sflag:s21] =	ssyncadd.s32 $0xFFFFC180  }
0x37: {  	[tilespmem:s17], [sflag:$0x1] =	stream.indirect.gather [hbm4b:s1+s16], $0x80, s22, s16, $0xb8;
	[tilespmem:$0x1E800] =	vst v63  }
0x38: {  	s25 =	simm.s32 $0xFFFFB800  }
0x39: {  	[spmem:s2] =	stream.indirect.scatter.add.f32 [tilespmem:s20], [sflag:$0x2], $0x80, s23, s16, $0xb8;
	[tilespmem:$0x1E800] =	vst v63  }
.LBB2_2:
0x3a: {  	_ =	swait.ge [sflag:s18], $0x3E80  }
0x3b: {  	[sflag:s18] =	ssyncset.done $0x0  }
0x3c: {  	[sflag:s18] =	ssyncadd.s32 $0xFFFFC180  }
0x3d: {  	_ =	swait.ge [sflag:s21], $0x3E80  }
0x3e: {  	s26 =	sshra.s32 s25, $0x2;
	[sflag:s21] =	ssyncset.done $0x0  }
0x3f: {  	s28 =	sadd.s32 $0x1380, s26;
	[sflag:s21] =	ssyncadd.s32 $0xFFFFC180  }
0x40: {  	[tilespmem:s20], [sflag:$0x1] =	stream.indirect.gather [hbm4b:s1+s16], $0x80, s28, s16, $0xb8;
	[tilespmem:$0x1E800] =	vst v63  }
0x41: {  	s28 =	sadd.s32 $0x2700, s26  }
0x42: {  	[spmem:s2] =	stream.indirect.scatter.add.f32 [tilespmem:s17], [sflag:$0x2], $0x80, s28, s16, $0xb8;
	[tilespmem:$0x1E800] =	vst v63  }
0x43: {  	p0 =	seq.s32 s25, $0x0;
	_ =	swait.ge [sflag:s18], $0x3E80  }
.Ltmp2:
0x44: {  	[sflag:s18] =	ssyncset.done $0x0;
	(pc) =	sbr.rel @p0 .LBB2_4-.Ltmp2, $4  }
0x45: {  	[sflag:s18] =	ssyncadd.s32 $0xFFFFC180  }
0x46: {  	_ =	swait.ge [sflag:s21], $0x3E80  }
0x47: {  	[sflag:s21] =	ssyncset.done $0x0  }
0x48: {  	s28 =	sadd.s32 $0x2780, s26;
	[sflag:s21] =	ssyncadd.s32 $0xFFFFC180  }
.Ltmp3:
0x49: {  	(pc) =	sbr.rel .LBB2_2-.Ltmp3, $4  }
0x4a: {  	s26 =	sadd.s32 $0x1400, s26  }
0x4b: {  	[tilespmem:s17], [sflag:$0x1] =	stream.indirect.gather [hbm4b:s1+s16], $0x80, s26, s16, $0xb8;
	[tilespmem:$0x1E800] =	vst v63  }
0x4c: {  	s25 =	sadd.s32 $0x400, s25  }
0x4d: {  	[spmem:s2] =	stream.indirect.scatter.add.f32 [tilespmem:s20], [sflag:$0x2], $0x80, s28, s16, $0xb8;
	[tilespmem:$0x1E800] =	vst v63  }
.LBB2_4:
0x4e: {  	[spmem:s2] =	stream.indirect.scatter.add.f32 [tilespmem:s20], [sflag:$0x2], $0x80, s28, s16, $0xb8;
	[tilespmem:$0x1E800] =	vst v63  }
0x4f: {  	_ =	swait.ge [sflag:s21], $0x3E80  }
0x50: {  	[sflag:s21] =	ssyncset.done $0x0  }
0x51: {  	[sflag:s21] =	ssyncadd.s32 $0xFFFFC180  }
0x52: {  	[tilespmem:s4], [sflag:$0x3] =	stream.linear.gather [hbm4b:s9+s4], $0x1400, $0x38;
	[tilespmem:$0x1E800] =	vst v63  }
0x53: {  	_ =	swait.ge [sflag:s14], $0x1400  }
0x54: {  	[sflag:s14] =	ssyncset.done $0x0  }
0x55: {  	[sflag:s14] =	ssyncadd.s32 $0xFFFFEC00  }
0x56: {  	[tilespmem:s15], [sflag:$0x3] =	stream.linear.gather [hbm4b:s10+s4], $0x1400, $0x38;
	[tilespmem:$0x1E800] =	vst v63  }
0x57: {  	_ =	swait.ge [sflag:s14], $0x1400  }
0x58: {  	[sflag:s14] =	ssyncset.done $0x0  }
0x59: {  	[sflag:s14] =	ssyncadd.s32 $0xFFFFEC00  }
0x5a: {  	[tilespmem:s17], [sflag:$0x1] =	stream.indirect.gather [hbm4b:s1+s16], $0x80, s4, s16, $0xb8;
	[tilespmem:$0x1E800] =	vst v63  }
0x5b: {  	_ =	swait.ge [sflag:s18], $0x3E80  }
0x5c: {  	[sflag:s18] =	ssyncset.done $0x0  }
0x5d: {  	[sflag:s18] =	ssyncadd.s32 $0xFFFFC180  }
0x5e: {  	[tilespmem:s20], [sflag:$0x1] =	stream.indirect.gather [hbm4b:s1+s16], $0x80, s19, s16, $0xb8;
	[tilespmem:$0x1E800] =	vst v63  }
0x5f: {  	_ = 	snop  }
0x60: {  	[spmem:s2] =	stream.indirect.scatter.add.f32 [tilespmem:s17], [sflag:$0x2], $0x80, s15, s16, $0xb8;
	[tilespmem:$0x1E800] =	vst v63  }
0x61: {  	_ =	swait.ge [sflag:s18], $0x3E80  }
0x62: {  	[sflag:s18] =	ssyncset.done $0x0  }
0x63: {  	[sflag:s18] =	ssyncadd.s32 $0xFFFFC180  }
0x64: {  	_ =	swait.ge [sflag:s21], $0x3E80  }
0x65: {  	[sflag:s21] =	ssyncset.done $0x0  }
0x66: {  	[sflag:s21] =	ssyncadd.s32 $0xFFFFC180  }
0x67: {  	[tilespmem:s17], [sflag:$0x1] =	stream.indirect.gather [hbm4b:s1+s16], $0x80, s22, s16, $0xb8;
	[tilespmem:$0x1E800] =	vst v63  }
0x68: {  	s25 =	simm.s32 $0xFFFFB800  }
0x69: {  	[spmem:s2] =	stream.indirect.scatter.add.f32 [tilespmem:s20], [sflag:$0x2], $0x80, s23, s16, $0xb8;
	[tilespmem:$0x1E800] =	vst v63  }
.LBB2_5:
0x6a: {  	_ =	swait.ge [sflag:s18], $0x3E80  }
0x6b: {  	[sflag:s18] =	ssyncset.done $0x0  }
0x6c: {  	[sflag:s18] =	ssyncadd.s32 $0xFFFFC180  }
0x6d: {  	_ =	swait.ge [sflag:s21], $0x3E80  }
0x6e: {  	s26 =	sshra.s32 s25, $0x2;
	[sflag:s21] =	ssyncset.done $0x0  }
0x6f: {  	s28 =	sadd.s32 $0x1380, s26;
	[sflag:s21] =	ssyncadd.s32 $0xFFFFC180  }
0x70: {  	[tilespmem:s20], [sflag:$0x1] =	stream.indirect.gather [hbm4b:s1+s16], $0x80, s28, s16, $0xb8;
	[tilespmem:$0x1E800] =	vst v63  }
0x71: {  	s28 =	sadd.s32 $0x2700, s26  }
0x72: {  	[spmem:s2] =	stream.indirect.scatter.add.f32 [tilespmem:s17], [sflag:$0x2], $0x80, s28, s16, $0xb8;
	[tilespmem:$0x1E800] =	vst v63  }
0x73: {  	p0 =	seq.s32 s25, $0x0;
	_ =	swait.ge [sflag:s18], $0x3E80  }
.Ltmp4:
0x74: {  	[sflag:s18] =	ssyncset.done $0x0;
	(pc) =	sbr.rel @p0 .LBB2_7-.Ltmp4, $4  }
0x75: {  	[sflag:s18] =	ssyncadd.s32 $0xFFFFC180  }
0x76: {  	_ =	swait.ge [sflag:s21], $0x3E80  }
0x77: {  	[sflag:s21] =	ssyncset.done $0x0  }
0x78: {  	s28 =	sadd.s32 $0x2780, s26;
	[sflag:s21] =	ssyncadd.s32 $0xFFFFC180  }
.Ltmp5:
0x79: {  	(pc) =	sbr.rel .LBB2_5-.Ltmp5, $4  }
0x7a: {  	s26 =	sadd.s32 $0x1400, s26  }
0x7b: {  	[tilespmem:s17], [sflag:$0x1] =	stream.indirect.gather [hbm4b:s1+s16], $0x80, s26, s16, $0xb8;
	[tilespmem:$0x1E800] =	vst v63  }
0x7c: {  	s25 =	sadd.s32 $0x400, s25  }
0x7d: {  	[spmem:s2] =	stream.indirect.scatter.add.f32 [tilespmem:s20], [sflag:$0x2], $0x80, s28, s16, $0xb8;
	[tilespmem:$0x1E800] =	vst v63  }
.LBB2_8:
0x7e: {  	_ =	sfence.sel $0x180000  }
0x7f: {  	[bflag:$0x0] =	sbarrier.arrive $0xFFFF  }
0x80: {  	p0 =	sne.s32 s3, $0x0;
	_ =	strace $0x9000004A  }
0x81: {  	s0 =	sadd.s32 @!p0 $0x100000, s0;
	[bflag:$0x2] =	sbarrier.arrive $0xFFFF  }
0x82: {  	[sflag:s0] =	ssyncadd.tile.s32 @!p0 $0x1;
	_ =	shalt  }
.Lfunc_end2:
_tile_overlayer_lowered:
.L_overlay_start_2:
0x83: {  	(tag) =	ssettag $0x2  }
0x84: {  	s0 =	rddreg [dreg:$0x0];
	s2 =	stileid.u32  }
0x85: {  	s1 =	rddreg [dreg:$0x1];
	p0 =	sne.s32 s2, $0x0  }
0x86: {  	s3 =	rddreg [dreg:$0x2];
	[bflag:$0x3] =	sbarrier.arrive $0xFFFF;
	s2 =	simm.s32 @!p0 $0x1C03  }
0x87: {  	[timem:s3], [sflag:s2] =	dma.local @!p0 [hbm:s0], s1  }
0x88: {  	s0 =	simm.s32 @!p0 $0x3  }
0x89: {  	_ =	swait.ge @!p0 [sflag:s0], s1  }
0x8a: {  	s1 =	ssub.s32 @!p0 $0x0, s1;
	[sflag:s0] =	ssyncset.done @!p0 $0x0  }
0x8b: {  	[sflag:s0] =	ssyncadd.s32 @!p0 s1  }
0x8c: {  	[bflag:$0x3] =	sbarrier.arrive $0xFFFF  }
0x8d: {  	_ =	shalt  }

// kernel: kernel.7.cloned.1.call-start
scs
__scs_entry_jumppad:
0x0: {  	(pc) =	sbr.rel $0x88, $3  }
0x1: {  	(tag) =	ssettag $0x0;
	lr =	simm.s32 $0x1  }
0x2: {  	[smem:$0x3F99] =	sst lr;
	_ =	strace $0xD0000000  }
0x3: {  	_ = 	snop  }
0x4: {  	_ = 	snop  }
0x5: {  	_ = 	snop  }
0x6: {  	_ = 	snop  }
0x7: {  	_ = 	snop  }
__scs_overlays_trampoline_lowered:
0x8: {  	[smem:$0x3FA8] =	sst s0  }
0x9: {  	[smem:$0x3FA9] =	sst s1  }
0xa: {  	[smem:$0x3FAA] =	sst s2  }
0xb: {  	[smem:$0x3FAB] =	sst s3  }
0xc: {  	[smem:$0x3FAC] =	sst s4  }
0xd: {  	[smem:$0x3FAD] =	sst s5  }
0xe: {  	[smem:$0x3FAE] =	sst s6  }
0xf: {  	[smem:$0x3FAF] =	sst s7  }
0x10: {  	[smem:$0x3FB0] =	sst s8  }
0x11: {  	[smem:$0x3FB1] =	sst s9;
	s0 =	simm.s32 @!p0 $0x0  }
0x12: {  	s1 =	sld [smem:$0x3F97];
	s0 =	simm.s32 @p0 $0x1  }
0x13: {  	[smem:$0x3FB2] =	sst s0;
	s0 =	simm.s32 @!p1 $0x0  }
0x14: {  	s2 =	sld [smem:$0x3F96];
	s0 =	simm.s32 @p1 $0x1  }
0x15: {  	[smem:$0x3FB3] =	sst s0;
	s0 =	simm.s32 @!p2 $0x0  }
0x16: {  	s3 =	sld [smem:$0x3FDB];
	s0 =	simm.s32 @p2 $0x1  }
0x17: {  	s4 =	simm.s32 $0x1BF5;
	[smem:$0x3FB5] =	sst s0  }
0x18: {  	s0 =	sld [smem:$0x3F98];
	_ =	swait.ge [sflag:s4], $0x0  }
0x19: {  	s7 =	sld [smem:$0x3F99]  }
0x1a: {  	s8 =	sadd.s32 $0xFFFFE003, lr  }
0x1b: {  	s9 =	sadd.s32 $0xFFFFFEF7, lr;
	s5 =	simm.s32 $0xFFFFFFFF;
	p2 =	slt.u32 s8, $0xFFFFF086  }
0x1c: {  	p1 =	slt.u32 s9, $0xF7A;
	s5 =	simm.s32 @!p2 $0x0  }
0x1d: {  	s5 =	simm.s32 @p1 $0x1;
	p0 =	seq.s32 s7, s2  }
0x1e: {  	s7 =	smul.u32 @!p0 $0xF7A, s2;
	p2 =	seq.s32 @!p0 s5, $0x0  }
0x1f: {  	s9 =	smul.u32 $0xF7A, s1;
	s8 =	simm.s32 @!p0 $0x1BF5;
	p2 =	por !p2, p0  }
0x20: {  	[sflag:s8] =	ssyncset.s32 @!p0 $0xFFFFF086;
	s6 =	sadd.s32 @!p0 s3, s7;
	s7 =	simm.s32 @!p0 $0x108  }
0x21: {  	s3 =	sadd.s32 s3, s9;
	s6 =	sadd.s32 @!p0 $0x88, s6;
	s7 =	simm.s32 @p2 $0x1082  }
0x22: {  	[simem:s7], [sflag:s8] =	dma.local @!p0 [hbm:s6], $0xF7A  }
0x23: {  	s9 =	sor.u32 $0xD0000000, s2;
	s6 =	simm.s32 $0x108;
	_ =	swait.ge @!p0 [sflag:s8], $0x0  }
0x24: {  	s3 =	sadd.s32 $0x88, s3;
	s6 =	simm.s32 @!p1 $0x1082;
	[sflag:s4] =	ssyncset.s32 $0xFFFFF086  }
0x25: {  	[simem:s6], [sflag:s4] =	dma.local [hbm:s3], $0xF7A  }
0x26: {  	[smem:$0x3F99] =	sst s1;
	(tag) =	ssettag s2;
	_ =	strace s9  }
0x27: {  	s1 =	sld [smem:$0x3FA9]  }
0x28: {  	s2 =	sld [smem:$0x3FAA]  }
0x29: {  	s4 =	sld [smem:$0x3FAC]  }
0x2a: {  	p0 =	seq.s32 s5, $0x0;
	s5 =	sld [smem:$0x3FAD]  }
0x2b: {  	s6 =	sld [smem:$0x3FAE]  }
0x2c: {  	s7 =	sld [smem:$0x3FAF]  }
0x2d: {  	s3 =	simm.s32 $0x108;
	s8 =	sld [smem:$0x3FB0]  }
0x2e: {  	s3 =	simm.s32 @!p0 $0x1082;
	s9 =	sld [smem:$0x3FB1]  }
0x2f: {  	lr =	sadd.s32 s0, s3;
	s0 =	sld [smem:$0x3FA8]  }
0x30: {  	s3 =	sld [smem:$0x3FAB]  }
0x31: {  	[smem:$0x3FB4] =	sst s10  }
0x32: {  	s10 =	sld [smem:$0x3FB2];
	_ =	sdelay $0x3  }
0x33: {  	p0 =	seq.s32 s10, $0x1;
	s10 =	sld [smem:$0x3FB4];
	_ =	sdelay $0x3  }
0x34: {  	[smem:$0x3FB4] =	sst s10  }
0x35: {  	s10 =	sld [smem:$0x3FB3];
	_ =	sdelay $0x3  }
0x36: {  	p1 =	seq.s32 s10, $0x1;
	s10 =	sld [smem:$0x3FB4];
	_ =	sdelay $0x3  }
0x37: {  	[smem:$0x3FB4] =	sst s10  }
0x38: {  	s10 =	sld [smem:$0x3FB5]  }
0x39: {  	_ = 	snop;
	(pc) =	sbr.ind lr, $3  }
0x3a: {  	_ = 	snop  }
0x3b: {  	_ = 	snop  }
0x3c: {  	p2 =	seq.s32 s10, $0x1;
	s10 =	sld [smem:$0x3FB4]  }
0x3d: {  	_ =	shalt  }
0x3e: {  	_ =	shalt  }
0x3f: {  	_ =	shalt  }
0x40: {  	_ =	shalt  }
0x41: {  	_ =	shalt  }
0x42: {  	_ =	shalt  }
0x43: {  	_ =	shalt  }
0x44: {  	_ =	shalt  }
0x45: {  	_ =	shalt  }
0x46: {  	_ =	shalt  }
0x47: {  	_ =	shalt  }
0x48: {  	_ =	shalt  }
0x49: {  	_ =	shalt  }
0x4a: {  	_ =	shalt  }
0x4b: {  	_ =	shalt  }
0x4c: {  	_ =	shalt  }
0x4d: {  	_ =	shalt  }
0x4e: {  	_ =	shalt  }
0x4f: {  	_ =	shalt  }
0x50: {  	_ =	shalt  }
0x51: {  	_ =	shalt  }
0x52: {  	_ =	shalt  }
0x53: {  	_ =	shalt  }
0x54: {  	_ =	shalt  }
0x55: {  	_ =	shalt  }
0x56: {  	_ =	shalt  }
0x57: {  	_ =	shalt  }
0x58: {  	_ =	shalt  }
0x59: {  	_ =	shalt  }
0x5a: {  	_ =	shalt  }
0x5b: {  	_ =	shalt  }
0x5c: {  	_ =	shalt  }
0x5d: {  	_ =	shalt  }
0x5e: {  	_ =	shalt  }
0x5f: {  	_ =	shalt  }
0x60: {  	_ =	shalt  }
0x61: {  	_ =	shalt  }
0x62: {  	_ =	shalt  }
0x63: {  	_ =	shalt  }
0x64: {  	_ =	shalt  }
0x65: {  	_ =	shalt  }
0x66: {  	_ =	shalt  }
0x67: {  	_ =	shalt  }
0x68: {  	_ =	shalt  }
0x69: {  	_ =	shalt  }
0x6a: {  	_ =	shalt  }
0x6b: {  	_ =	shalt  }
0x6c: {  	_ =	shalt  }
0x6d: {  	_ =	shalt  }
0x6e: {  	_ =	shalt  }
0x6f: {  	_ =	shalt  }
0x70: {  	_ =	shalt  }
0x71: {  	_ =	shalt  }
0x72: {  	_ =	shalt  }
0x73: {  	_ =	shalt  }
0x74: {  	_ =	shalt  }
0x75: {  	_ =	shalt  }
0x76: {  	_ =	shalt  }
0x77: {  	_ =	shalt  }
0x78: {  	_ =	shalt  }
0x79: {  	_ =	shalt  }
0x7a: {  	_ =	shalt  }
0x7b: {  	_ =	shalt  }
0x7c: {  	_ =	shalt  }
0x7d: {  	_ =	shalt  }
0x7e: {  	_ =	shalt  }
0x7f: {  	_ =	shalt  }
0x80: {  	_ =	shalt  }
0x81: {  	_ =	shalt  }
0x82: {  	_ =	shalt  }
0x83: {  	_ =	shalt  }
0x84: {  	_ =	shalt  }
0x85: {  	_ =	shalt  }
0x86: {  	_ =	shalt  }
0x87: {  	_ =	shalt  }
.Lfunc_end0:
.L_simem_size_0:
called_computation_lowered:
.L_overlay_start_0:
0x88: {  	s2 =	sld [smem:$0x3FD9]  }
0x89: {  	s3 =	sld [smem:$0x3FFE];
	_ =	sdelay $0x1  }
0x8a: {  	s1 =	srdreg.scid  }
0x8b: {  	s0 =	sand.u32 $0x1, s1  }
0x8c: {  	s17 =	sshll.u32 s0, $0xA;
	s2 =	sadd.s32 s3, s2  }
0x8d: {  	s2 =	sadd.s32 s2, s17  }
0x8e: {  	[smem:$0x3FC0] =	sst s2  }
0x8f: {  	_ = 	snop  }
0x90: {  	s2 =	sld [smem:$0x3FD0];
	(tm) =	ssettm $0x1  }
0x91: {  	s18 =	sld [smem:$0x3FFB];
	_ =	sdelay $0x3  }
0x92: {  	_ =	strace s18  }
0x93: {  	s3 =	sld [smem:$0x3FFC];
	_ =	sdelay $0x3  }
0x94: {  	_ =	strace s3  }
0x95: {  	s3 =	sld [smem:$0x3FFD];
	_ =	sdelay $0x3  }
0x96: {  	_ =	strace s3  }
0x97: {  	_ =	strace $0x8FFFFFFF  }
0x98: {  	s19 =	sld [smem:$0x3FDB];
	_ =	sdelay $0x1  }
0x99: {  	s4 =	simm.s32 $_scs_section_size  }
0x9a: {  	s5 =	simm.s32 $_size__tile_overlayer_lowered;
	s6 =	simm.s32 $_tile_overlayer_lowered  }
0x9b: {  	s22 =	simm.s32 $0x1BFF;
	s21 =	sshll.u32 s6, $0x1;
	s3 =	sadd.s32 s4, s19  }
0x9c: {  	s7 =	simm.s32 $0x0;
	s20 =	sshll.u32 s5, $0x1;
	s5 =	sadd.s32 s21, s3  }
0x9d: {  	[timem:s7], [sflag:s22] =	dma.local [hbm:s5], s20  }
0x9e: {  	_ =	swait.ge [sflag:s22], s20  }
0x9f: {  	s4 =	ssub.s32 $0x0, s20;
	[sflag:s22] =	ssyncset.done $0x0  }
0xa0: {  	[sflag:s22] =	ssyncadd.s32 s4;
	_ =	sdelay $0x1  }
0xa1: {  	s23 =	simm.s32 $0x1B8B  }
0xa2: {  	_ =	swait.ge [sflag:s23], $0x1  }
0xa3: {  	[sflag:s23] =	ssyncset.done $0x0  }
0xa4: {  	s25 =	simm.s32 $0x1B8E;
	s24 =	sld [smem:$0x3FFE];
	[sflag:s23] =	ssyncadd.s32 $0xFFFFFFFF  }
0xa5: {  	s26 =	simm.s32 $execute0_lowered;
	[smem:$0x3FD2] =	sst s25  }
0xa6: {  	s5 =	sshll.u32 s26, $0x1;
	_ =	strace $0x80000046;
	[dreg:$0x1] =	wrdreg $0xFFFFFFFF  }
0xa7: {  	s28 =	simm.s32 $_size_execute0_lowered;
	s3 =	sadd.s32 s3, s5;
	[dreg:$0x0] =	wrdreg $0x0  }
0xa8: {  	s5 =	sshll.u32 s28, $0x1;
	[dreg:$0x2] =	wrdreg s3  }
0xa9: {  	[dreg:$0x3] =	wrdreg s5  }
0xaa: {  	[dreg:$0x4] =	wrdreg $0xC0  }
0xab: {  	_ =	task [dreg:s7], $0x5FFFF  }
0xac: {  	[dreg:$0x1] =	wrdreg $0xFFFFFFFF  }
0xad: {  	[dreg:$0x0] =	wrdreg $0x60  }
0xae: {  	[dreg:$0x2] =	wrdreg s2  }
0xaf: {  	[dreg:$0x3] =	wrdreg s24  }
0xb0: {  	[dreg:$0x4] =	wrdreg $0x9  }
0xb1: {  	_ =	task.clear_ibuf [dreg:s7], $0x5FFFF;
	_ =	strace $0x90000046  }
0xb2: {  	s29 =	simm.s32 $0x9;
	_ =	strace $0x80000048  }
0xb3: {  	_ =	swait.ge [sflag:s29], $0x1  }
0xb4: {  	[sflag:s29] =	ssyncadd.s32 $0xFFFFFFFF  }
0xb5: {  	_ =	strace $0x90000048  }
0xb6: {  	_ =	sfence  }
0xb7: {  	s30 =	sld [smem:$0x0];
	_ =	sdelay $0x2  }
0xb8: {  	s31 =	sshll.u32 s1, $0xD;
	s1 =	sshrl.u32 s1, $0x2  }
0xb9: {  	s3 =	sand.u32 $0x4000, s31;
	s1 =	sadd.s32 s1, s30  }
0xba: {  	s0 =	sor.u32 s3, s0;
	s1 =	sshll.u32 s1, $0x11  }
0xbb: {  	s0 =	sor.u32 s1, s0  }
0xbc: {  	s0 =	sadd.s32 $0x8F2B, s0  }
0xbd: {  	[sflag:s0] =	ssyncadd.remote.s32 $0x1  }
0xbe: {  	_ =	sfence.sel $0xFFFF  }
0xbf: {  	[dreg:$0x0] =	wrdreg $0xFFFFFFFF;
	(pc) =	sbr.abs _section_cstart, $3  }
0xc0: {  	[dreg:$0x1] =	wrdreg $0xFFFFFFFF  }
0xc1: {  	_ =	task.clear_ibuf [dreg:s7], $0x2FFFF;
	_ =	strace $0x9FFFFFFF  }
0xc2: {  	(tm) =	ssettm $0x7FFFFFFF  }
0xc3: {  	_ =	shalt  }
tec
execute0_lowered:
.L_overlay_start_1:
0x0: {  	(tag) =	ssettag $0x1  }
0x1: {  	s4 =	rddreg [dreg:$0x0]  }
0x2: {  	s1 =	srdreg.scid;
	s0 =	stileid.u32  }
0x3: {  	s5 =	rddreg [dreg:$0x1];
	s2 =	simm.s32 $0x0;
	s10 =	simm.s32 $0x1  }
0x4: {  	s11 =	simm.s32 $0x7800;
	s3 =	sand.u32 $0x1, s1;
	s6 =	sshll.u32 s0, $0x1  }
0x5: {  	s12 =	simm.s32 $0x2800;
	s13 =	simm.s32 $0x0;
	s6 =	sor.u32 s3, s6  }
0x6: {  	[smem:$0x7FF] =	sst s2;
	s7 =	ssub.s32 $0x2, s3;
	s6 =	smul.u32 $0x500, s6  }
0x7: {  	s1 =	rddreg [dreg:$0x2];
	_ =	strace $0x80000047;
	s8 =	sshrl.u32 s7, $0x1  }
0x8: {  	s3 =	sadd.s32 $0xC200, s5;
	s8 =	ssub.s32 s7, s8;
	s9 =	sadd.s32 s6, s5  }
0x9: {  	s4 =	sadd.s32 s4, s6;
	s8 =	smax.u32 s8, $0x1;
	s5 =	sadd.s32 $0x2200, s9  }
0xa: {  	s6 =	sadd.s32 $0xC800, s9;
	s7 =	sadd.s32 $0x16800, s9;
	s9 =	simm.s32 $0x5000  }
.LBB2_1:
0xb: {  	[tilespmem:s9], [sflag:$0x1] =	stream.linear.gather [hbm4b:s3+s2], $0x2800, $0x38;
	[tilespmem:$0xA000] =	vst v63  }
0xc: {  	_ =	swait.ge [sflag:s10], $0x2800  }
0xd: {  	[sflag:s10] =	ssyncset.done $0x0  }
0xe: {  	[sflag:s10] =	ssyncadd.s32 $0xFFFFD800  }
0xf: {  	[tilespmem:s11], [sflag:$0x1] =	stream.linear.gather [hbm4b:s3+s2], $0x2800, $0x38;
	[tilespmem:$0xA000] =	vst v63  }
0x10: {  	_ =	swait.ge [sflag:s10], $0x2800  }
0x11: {  	[sflag:s10] =	ssyncset.done $0x0  }
0x12: {  	[sflag:s10] =	ssyncadd.s32 $0xFFFFD800  }
0x13: {  	[tilespmem:s2], [sflag:$0x1] =	stream.linear.gather [hbm4b:s4+s2], $0x2780, $0x38;
	[tilespmem:$0xA000] =	vst v63  }
0x14: {  	_ =	swait.ge [sflag:s10], $0x2780  }
0x15: {  	[sflag:s10] =	ssyncset.done $0x0  }
0x16: {  	[sflag:s10] =	ssyncadd.s32 $0xFFFFD880  }
0x17: {  	[tilespmem:s12], [sflag:$0x1] =	stream.linear.gather [hbm4b:s5+s2], $0x2780, $0x38;
	[tilespmem:$0xA000] =	vst v63  }
0x18: {  	_ =	swait.ge [sflag:s10], $0x2780  }
0x19: {  	[sflag:s10] =	ssyncset.done $0x0  }
0x1a: {  	s14 =	simm.s32 $0x0;
	[sflag:s10] =	ssyncadd.s32 $0xFFFFD880  }
.LBB2_2:
0x1b: {  	s15 =	sshra.s32 s14, $0x2  }
0x1c: {  	v0 =	vld [tilespmem:s15+$0x0];
	_ =	sdelay $0x4  }
0x1d: {  	(xrf1) =	vunique.msk.u32 $0xffff, v0;
	_ =	sdelay $0xd  }
0x1e: {  	_, v1, vm0 =	vpop (xrf1);
	_ =	sdelay $0x3  }
0x1f: {  	v1 =	vcvt.s32.f32 v1;
	_ =	sdelay $0x1  }
0x20: {  	[tilespmem:v0+s9+$0x0] =	vst.idx.add.f32.msk vm0, v1  }
0x21: {  	v0 =	vld [tilespmem:s15+$0x10];
	_ =	sdelay $0x4  }
0x22: {  	(xrf1) =	vunique.msk.u32 $0xffff, v0;
	_ =	sdelay $0xd  }
0x23: {  	_, v1, vm0 =	vpop (xrf1);
	_ =	sdelay $0x3  }
0x24: {  	v1 =	vcvt.s32.f32 v1;
	_ =	sdelay $0x1  }
0x25: {  	[tilespmem:v0+s9+$0x0] =	vst.idx.add.f32.msk vm0, v1  }
0x26: {  	v0 =	vld [tilespmem:s15+$0x20];
	_ =	sdelay $0x4  }
0x27: {  	(xrf1) =	vunique.msk.u32 $0xffff, v0;
	_ =	sdelay $0xd  }
0x28: {  	_, v1, vm0 =	vpop (xrf1);
	_ =	sdelay $0x3  }
0x29: {  	v1 =	vcvt.s32.f32 v1;
	_ =	sdelay $0x1  }
0x2a: {  	[tilespmem:v0+s9+$0x0] =	vst.idx.add.f32.msk vm0, v1  }
0x2b: {  	v0 =	vld [tilespmem:s15+$0x30];
	_ =	sdelay $0x4  }
0x2c: {  	(xrf1) =	vunique.msk.u32 $0xffff, v0;
	_ =	sdelay $0xd  }
0x2d: {  	_, v1, vm0 =	vpop (xrf1);
	_ =	sdelay $0x3  }
0x2e: {  	v1 =	vcvt.s32.f32 v1;
	_ =	sdelay $0x1  }
0x2f: {  	[tilespmem:v0+s9+$0x0] =	vst.idx.add.f32.msk vm0, v1  }
0x30: {  	v0 =	vld [tilespmem:s15+$0x40];
	_ =	sdelay $0x4  }
0x31: {  	(xrf1) =	vunique.msk.u32 $0xffff, v0;
	_ =	sdelay $0xd  }
0x32: {  	_, v1, vm0 =	vpop (xrf1);
	_ =	sdelay $0x3  }
0x33: {  	v1 =	vcvt.s32.f32 v1;
	_ =	sdelay $0x1  }
0x34: {  	[tilespmem:v0+s9+$0x0] =	vst.idx.add.f32.msk vm0, v1  }
0x35: {  	v0 =	vld [tilespmem:s15+$0x50];
	_ =	sdelay $0x4  }
0x36: {  	(xrf1) =	vunique.msk.u32 $0xffff, v0;
	_ =	sdelay $0xd  }
0x37: {  	_, v1, vm0 =	vpop (xrf1);
	_ =	sdelay $0x3  }
0x38: {  	v1 =	vcvt.s32.f32 v1;
	_ =	sdelay $0x1  }
0x39: {  	[tilespmem:v0+s9+$0x0] =	vst.idx.add.f32.msk vm0, v1  }
0x3a: {  	v0 =	vld [tilespmem:s15+$0x60];
	_ =	sdelay $0x4  }
0x3b: {  	(xrf1) =	vunique.msk.u32 $0xffff, v0;
	_ =	sdelay $0xd  }
0x3c: {  	_, v1, vm0 =	vpop (xrf1);
	_ =	sdelay $0x3  }
0x3d: {  	v1 =	vcvt.s32.f32 v1;
	_ =	sdelay $0x1  }
0x3e: {  	[tilespmem:v0+s9+$0x0] =	vst.idx.add.f32.msk vm0, v1  }
0x3f: {  	v0 =	vld [tilespmem:s15+$0x70];
	_ =	sdelay $0x4  }
0x40: {  	(xrf1) =	vunique.msk.u32 $0xffff, v0;
	_ =	sdelay $0xd  }
0x41: {  	_, v1, vm0 =	vpop (xrf1);
	_ =	sdelay $0x3  }
0x42: {  	v1 =	vcvt.s32.f32 v1;
	_ =	sdelay $0x1  }
0x43: {  	[tilespmem:v0+s9+$0x0] =	vst.idx.add.f32.msk vm0, v1  }
0x44: {  	v0 =	vld [tilespmem:s15+$0x2800];
	_ =	sdelay $0x4  }
0x45: {  	(xrf1) =	vunique.msk.u32 $0xffff, v0;
	_ =	sdelay $0xd  }
0x46: {  	_, v1, vm0 =	vpop (xrf1);
	_ =	sdelay $0x3  }
0x47: {  	v1 =	vcvt.s32.f32 v1;
	_ =	sdelay $0x1  }
0x48: {  	[tilespmem:v0+s11+$0x0] =	vst.idx.add.f32.msk vm0, v1  }
0x49: {  	v0 =	vld [tilespmem:s15+$0x2810];
	_ =	sdelay $0x4  }
0x4a: {  	(xrf1) =	vunique.msk.u32 $0xffff, v0;
	_ =	sdelay $0xd  }
0x4b: {  	_, v1, vm0 =	vpop (xrf1);
	_ =	sdelay $0x3  }
0x4c: {  	v1 =	vcvt.s32.f32 v1;
	_ =	sdelay $0x1  }
0x4d: {  	[tilespmem:v0+s11+$0x0] =	vst.idx.add.f32.msk vm0, v1  }
0x4e: {  	v0 =	vld [tilespmem:s15+$0x2820];
	_ =	sdelay $0x4  }
0x4f: {  	(xrf1) =	vunique.msk.u32 $0xffff, v0;
	_ =	sdelay $0xd  }
0x50: {  	_, v1, vm0 =	vpop (xrf1);
	_ =	sdelay $0x3  }
0x51: {  	v1 =	vcvt.s32.f32 v1;
	_ =	sdelay $0x1  }
0x52: {  	[tilespmem:v0+s11+$0x0] =	vst.idx.add.f32.msk vm0, v1  }
0x53: {  	v0 =	vld [tilespmem:s15+$0x2830];
	_ =	sdelay $0x4  }
0x54: {  	(xrf1) =	vunique.msk.u32 $0xffff, v0;
	_ =	sdelay $0xd  }
0x55: {  	_, v1, vm0 =	vpop (xrf1);
	_ =	sdelay $0x3  }
0x56: {  	v1 =	vcvt.s32.f32 v1;
	_ =	sdelay $0x1  }
0x57: {  	[tilespmem:v0+s11+$0x0] =	vst.idx.add.f32.msk vm0, v1  }
0x58: {  	v0 =	vld [tilespmem:s15+$0x2840];
	_ =	sdelay $0x4  }
0x59: {  	(xrf1) =	vunique.msk.u32 $0xffff, v0;
	_ =	sdelay $0xd  }
0x5a: {  	_, v1, vm0 =	vpop (xrf1);
	_ =	sdelay $0x3  }
0x5b: {  	v1 =	vcvt.s32.f32 v1;
	_ =	sdelay $0x1  }
0x5c: {  	[tilespmem:v0+s11+$0x0] =	vst.idx.add.f32.msk vm0, v1  }
0x5d: {  	v0 =	vld [tilespmem:s15+$0x2850];
	_ =	sdelay $0x4  }
0x5e: {  	(xrf1) =	vunique.msk.u32 $0xffff, v0;
	_ =	sdelay $0xd  }
0x5f: {  	_, v1, vm0 =	vpop (xrf1);
	_ =	sdelay $0x3  }
0x60: {  	v1 =	vcvt.s32.f32 v1;
	_ =	sdelay $0x1  }
0x61: {  	[tilespmem:v0+s11+$0x0] =	vst.idx.add.f32.msk vm0, v1  }
0x62: {  	v0 =	vld [tilespmem:s15+$0x2860];
	_ =	sdelay $0x4  }
0x63: {  	(xrf1) =	vunique.msk.u32 $0xffff, v0;
	_ =	sdelay $0xd  }
0x64: {  	_, v1, vm0 =	vpop (xrf1);
	_ =	sdelay $0x3  }
0x65: {  	v1 =	vcvt.s32.f32 v1;
	_ =	sdelay $0x1  }
0x66: {  	[tilespmem:v0+s11+$0x0] =	vst.idx.add.f32.msk vm0, v1  }
0x67: {  	v0 =	vld [tilespmem:s15+$0x2870];
	_ =	sdelay $0x4  }
0x68: {  	(xrf1) =	vunique.msk.u32 $0xffff, v0;
	_ =	sdelay $0xd  }
0x69: {  	_, v1, vm0 =	vpop (xrf1)  }
0x6a: {  	p0 =	sne.s32 s14, $0x9C00  }
.Ltmp0:
0x6b: {  	_ = 	snop;
	(pc) =	sbr.rel @p0 .LBB2_2-.Ltmp0, $3  }
0x6c: {  	_ = 	snop  }
0x6d: {  	v1 =	vcvt.s32.f32 v1;
	_ =	sdelay $0x1  }
0x6e: {  	s14 =	sadd.s32 $0x200, s14;
	[tilespmem:v0+s11+$0x0] =	vst.idx.add.f32.msk vm0, v1  }
0x6f: {  	[hbm4b:s6+s2] =	stream.linear.scatter [tilespmem:s9], [sflag:$0x1], $0x2800, $0x38;
	[tilespmem:$0xA000] =	vst v63  }
0x70: {  	s13 =	sadd.s32 $0x1, s13;
	_ =	swait.ge [sflag:s10], $0x2800  }
0x71: {  	p0 =	sne.s32 s13, s8;
	[sflag:s10] =	ssyncset.done $0x0  }
.Ltmp1:
0x72: {  	[sflag:s10] =	ssyncadd.s32 $0xFFFFD800;
	(pc) =	sbr.rel @p0 .LBB2_1-.Ltmp1, $4  }
0x73: {  	[hbm4b:s7+s2] =	stream.linear.scatter [tilespmem:s11], [sflag:$0x1], $0x2800, $0x38;
	[tilespmem:$0xA000] =	vst v63  }
0x74: {  	_ =	swait.ge [sflag:s10], $0x2800  }
0x75: {  	[sflag:s10] =	ssyncset.done $0x0  }
0x76: {  	[sflag:s10] =	ssyncadd.s32 $0xFFFFD800  }
0x77: {  	_ =	sfence.sel $0x180000  }
0x78: {  	[bflag:$0x0] =	sbarrier.arrive $0xFFFF  }
0x79: {  	p0 =	sne.s32 s0, $0x0;
	_ =	strace $0x90000047  }
0x7a: {  	s0 =	sadd.s32 @!p0 $0x100000, s1;
	[bflag:$0x2] =	sbarrier.arrive $0xFFFF  }
0x7b: {  	[sflag:s0] =	ssyncadd.tile.s32 @!p0 $0x1;
	_ =	shalt  }
.Lfunc_end2:
_tile_overlayer_lowered:
.L_overlay_start_2:
0x7c: {  	(tag) =	ssettag $0x2  }
0x7d: {  	s0 =	rddreg [dreg:$0x0];
	s2 =	stileid.u32  }
0x7e: {  	s1 =	rddreg [dreg:$0x1];
	p0 =	sne.s32 s2, $0x0  }
0x7f: {  	s3 =	rddreg [dreg:$0x2];
	[bflag:$0x3] =	sbarrier.arrive $0xFFFF;
	s2 =	simm.s32 @!p0 $0x1C01  }
0x80: {  	[timem:s3], [sflag:s2] =	dma.local @!p0 [hbm:s0], s1  }
0x81: {  	s0 =	simm.s32 @!p0 $0x1  }
0x82: {  	_ =	swait.ge @!p0 [sflag:s0], s1  }
0x83: {  	s1 =	ssub.s32 @!p0 $0x0, s1;
	[sflag:s0] =	ssyncset.done @!p0 $0x0  }
0x84: {  	[sflag:s0] =	ssyncadd.s32 @!p0 s1  }
0x85: {  	[bflag:$0x3] =	sbarrier.arrive $0xFFFF  }
0x86: {  	_ =	shalt  }

</sc_bundles>
